<compile_context>
chip_gen: v7x
topology: tpu7x:2x2x1
jax: 0.10.2.dev20260603
libtpu: 0.0.44.dev20260713+nightly
codegen_flags: <defaults>
</compile_context>

<pallas_src>
import jax
import jax.numpy as jnp
from jax import lax
from jax.experimental import pallas as pl
from jax.experimental.pallas import tpu as pltpu
from jax.experimental.pallas import tpu_sc as plsc

CAPACITY, GROUPS, HEAD_DIM = 8192, 8, 128
NEW_TOKENS = 32

NC, NS = 2, 16
NW = NC * NS
RPW = CAPACITY // NW
CH = 32
NCHUNK = RPW // CH
NB = 3


def _sc_bulk_copy(k_ref, v_ref, ok_ref, ov_ref, buf, sem_in, sem_out):
    wid = lax.axis_index("s") * NC + lax.axis_index("c")
    base = wid * RPW

    ops = ([(k_ref, ok_ref, i) for i in range(NCHUNK)]
           + [(v_ref, ov_ref, i) for i in range(NCHUNK)])
    nop = len(ops)

    def in_copy(j):
        src, _, i = ops[j]
        rows = pl.ds(base + i * CH, CH)
        return pltpu.make_async_copy(src.at[rows], buf.at[j % NB],
                                     sem_in.at[j % NB])

    def out_copy(j):
        _, dst, i = ops[j]
        rows = pl.ds(base + i * CH, CH)
        return pltpu.make_async_copy(buf.at[j % NB], dst.at[rows],
                                     sem_out.at[j % NB])

    for b in range(min(NB, nop)):
        in_copy(b).start()
    for j in range(nop):
        in_copy(j).wait()
        out_copy(j).start()
        if j + NB < nop:
            out_copy(j).wait()
            in_copy(j + NB).start()
    for j in range(max(0, nop - NB), nop):
        out_copy(j).wait()


def _tc_slab_update(cur_ref, ok_in, ov_in, ak_ref, av_ref, ok_ref, ov_ref,
                    akbuf, avbuf, sems):
    del ok_in, ov_in
    cur = jnp.clip(cur_ref[0], 0, CAPACITY - NEW_TOKENS)
    cur = pl.multiple_of(cur, 8)

    ins = [pltpu.make_async_copy(ak_ref, akbuf, sems.at[0]),
           pltpu.make_async_copy(av_ref, avbuf, sems.at[1])]
    for c in ins:
        c.start()
    for c in ins:
        c.wait()
    sl = pl.ds(cur, NEW_TOKENS)
    outs = [pltpu.make_async_copy(akbuf, ok_ref.at[sl], sems.at[2]),
            pltpu.make_async_copy(avbuf, ov_ref.at[sl], sems.at[3])]
    for c in outs:
        c.start()
    for c in outs:
        c.wait()


def kernel(keys, values, added_keys, added_values, current_length):
    num_added = added_keys.shape[0]
    cur1 = jnp.reshape(current_length, (1,)).astype(jnp.int32)
    shp = (
        jax.ShapeDtypeStruct((CAPACITY, GROUPS, HEAD_DIM), jnp.float32),
        jax.ShapeDtypeStruct((CAPACITY, GROUPS, HEAD_DIM), jnp.float32),
    )

    sc = pl.kernel(
        _sc_bulk_copy,
        out_type=shp,
        mesh=plsc.VectorSubcoreMesh(core_axis_name="c", subcore_axis_name="s"),
        scratch_types=[
            pltpu.VMEM((NB, CH, GROUPS, HEAD_DIM), jnp.float32),
            pltpu.SemaphoreType.DMA((NB,)),
            pltpu.SemaphoreType.DMA((NB,)),
        ],
    )
    bk, bv = sc(keys, values)

    hbm = pl.BlockSpec(memory_space=pltpu.MemorySpace.HBM)
    ok, ov = pl.pallas_call(
        _tc_slab_update,
        in_specs=[pl.BlockSpec(memory_space=pltpu.SMEM), hbm, hbm, hbm, hbm],
        out_specs=(hbm, hbm),
        out_shape=shp,
        input_output_aliases={1: 0, 2: 1},
        scratch_shapes=[
            pltpu.VMEM((NEW_TOKENS, GROUPS, HEAD_DIM), jnp.float32),
            pltpu.VMEM((NEW_TOKENS, GROUPS, HEAD_DIM), jnp.float32),
            pltpu.SemaphoreType.DMA((4,)),
        ],
    )(cur1, bk, bv, added_keys, added_values)
    return ok, ov, current_length + num_added

# --- scband reference (transcript-rebuilt; emitter-appended) ---
"""Pipeline reference for scband-static-kvcache-layer-71030169141917 (READ-ONLY COPY).

The authoritative reference and input builder live on the scoring server;
editing this copy changes nothing except your own understanding.
"""

import jax, jax.numpy as jnp
import numpy as np
from jax import lax

CAPACITY, GROUPS, HEAD_DIM = 8192, 8, 128
NEW_TOKENS = 32
CUR_LEN = 4096


def setup_inputs(seed: int = 0) -> dict:
    key = jax.random.key(seed)
    k1, k2, k3, k4 = jax.random.split(key, 4)
    return {
        "keys": jax.random.normal(k1, (CAPACITY, GROUPS, HEAD_DIM), dtype=jnp.float32),
        "values": jax.random.normal(k2, (CAPACITY, GROUPS, HEAD_DIM), dtype=jnp.float32),
        "added_keys": jax.random.normal(k3, (NEW_TOKENS, GROUPS, HEAD_DIM), dtype=jnp.float32),
        "added_values": jax.random.normal(k4, (NEW_TOKENS, GROUPS, HEAD_DIM), dtype=jnp.float32),
        "current_length": jnp.array(CUR_LEN, dtype=jnp.int32),
    }


def reference(keys, values, added_keys, added_values, current_length):
    # StaticKVCacheLayer.extend: scatter-overwrite of a contiguous slice
    # at dynamic offset current_length along the token axis.
    if added_keys.shape != added_values.shape:
        raise ValueError("Keys and values must have the same shape")
    num_added_tokens, new_num_groups, new_head_dim = added_keys.shape
    _, old_num_groups, old_head_dim = keys.shape
    if new_num_groups != old_num_groups or new_head_dim != old_head_dim:
        raise ValueError("New keys and values must have the same number of groups and head dimensions")
    added_length = num_added_tokens
    updated_keys = lax.dynamic_update_slice_in_dim(keys, added_keys, current_length, 0)
    updated_values = lax.dynamic_update_slice_in_dim(values, added_values, current_length, 0)
    updated_sequence_length = current_length + added_length
    return updated_keys, updated_values, updated_sequence_length

if __name__ == "__main__":
    import jax
    _d = setup_inputs()
    print(jax.jit(kernel)(*tuple(_d.values())))

</pallas_src>

<mosaic_0001>
#map = affine_map<(d0, d1) -> (0, 0, 0)>
module attributes {stable_mosaic.version = 14 : i64} {
  func.func @_sc_bulk_copy(%arg0: i32, %arg1: i32, %arg2: memref<8192x8x128xf32, #tpu.memory_space<hbm>>, %arg3: memref<8192x8x128xf32, #tpu.memory_space<hbm>>, %arg4: memref<8192x8x128xf32, #tpu.memory_space<hbm>>, %arg5: memref<8192x8x128xf32, #tpu.memory_space<hbm>>, %arg6: memref<3x32x8x128xf32, #tpu.memory_space<vmem>>, %arg7: memref<3x!tpu.dma_semaphore, #tpu.memory_space<semaphore_mem>>, %arg8: memref<3x!tpu.dma_semaphore, #tpu.memory_space<semaphore_mem>>) attributes {dimension_semantics = [#tpu.dimension_semantics<core_parallel>, #tpu.dimension_semantics<subcore_parallel>], iteration_bounds = array<i64: 2, 16>, scalar_prefetch = 0 : i64, scratch_operands = 3 : i64, tpu.core_type = #tpu.core_type<sc_vector_subcore>, window_params = [{transform_indices = #map}, {transform_indices = #map}, {transform_indices = #map}, {transform_indices = #map}]} {
    %mul3A = arith.constant 2 : i32
    %mul3A_0 = arith.muli %arg1, %mul3A : i32
    %add3A = arith.addi %mul3A_0, %arg0 : i32
    %mul3A_1 = arith.constant 256 : i32
    %mul3A_2 = arith.muli %add3A, %mul3A_1 : i32
    %add3A_3 = arith.constant 0 : i32
    %add3A_4 = arith.addi %mul3A_2, %add3A_3 : i32
    %dma_start3A = arith.constant 0 : i32
    %dma_start3A_5 = arith.constant 0 : i32
    %dma_start3A_6 = arith.constant 0 : i32
    %dma_start3A_7 = arith.constant 0 : i32
    %dma_start3A_8 = arith.constant 0 : i32
    %dma_start3A_9 = tpu.memref_slice %arg6[%dma_start3A, %dma_start3A_6, %dma_start3A_7, %dma_start3A_8] : memref<3x32x8x128xf32, #tpu.memory_space<vmem>> -> memref<1x32x8x128xf32, #tpu.memory_space<vmem>>
    %dma_start3A_10 = tpu.memref_squeeze %dma_start3A_9 : memref<1x32x8x128xf32, #tpu.memory_space<vmem>> -> memref<32x8x128xf32, #tpu.memory_space<vmem>>
    %dma_start3A_11 = arith.constant 0 : i32
    %dma_start3A_12 = arith.constant 0 : i32
    %dma_start3A_13 = tpu.memref_slice %arg2[%add3A_4, %dma_start3A_11, %dma_start3A_12] : memref<8192x8x128xf32, #tpu.memory_space<hbm>> -> memref<32x8x128xf32, #tpu.memory_space<hbm>>
    %dma_start3A_14 = tpu.memref_slice %arg7[%dma_start3A_5] : memref<3x!tpu.dma_semaphore, #tpu.memory_space<semaphore_mem>> -> memref<1x!tpu.dma_semaphore, #tpu.memory_space<semaphore_mem>>
    %dma_start3A_15 = tpu.memref_squeeze %dma_start3A_14 : memref<1x!tpu.dma_semaphore, #tpu.memory_space<semaphore_mem>> -> memref<!tpu.dma_semaphore, #tpu.memory_space<semaphore_mem>>
    %dma_start3A_16 = arith.constant 0 : i32
    %dma_start3A_17 = arith.constant 0 : i32
    %dma_start3A_18 = arith.constant 0 : i32
    %dma_start3A_19 = tpu.memref_slice %arg6[%dma_start3A, %dma_start3A_16, %dma_start3A_17, %dma_start3A_18] : memref<3x32x8x128xf32, #tpu.memory_space<vmem>> -> memref<1x32x8x128xf32, #tpu.memory_space<vmem>>
    %dma_start3A_20 = tpu.memref_squeeze %dma_start3A_19 : memref<1x32x8x128xf32, #tpu.memory_space<vmem>> -> memref<32x8x128xf32, #tpu.memory_space<vmem>>
    %dma_start3A_21 = arith.constant 0 : i32
    %dma_start3A_22 = arith.constant 0 : i32
    %dma_start3A_23 = tpu.memref_slice %arg2[%add3A_4, %dma_start3A_21, %dma_start3A_22] : memref<8192x8x128xf32, #tpu.memory_space<hbm>> -> memref<32x8x128xf32, #tpu.memory_space<hbm>>
    tpu.enqueue_dma source(%dma_start3A_23 : memref<32x8x128xf32, #tpu.memory_space<hbm>>) target(%dma_start3A_20 : memref<32x8x128xf32, #tpu.memory_space<vmem>>) target_semaphore(%dma_start3A_15 : memref<!tpu.dma_semaphore, #tpu.memory_space<semaphore_mem>>)
    %add3A_24 = arith.constant 32 : i32
    %add3A_25 = arith.addi %mul3A_2, %add3A_24 : i32
    %dma_start3A_26 = arith.constant 1 : i32
    %dma_start3A_27 = arith.constant 1 : i32
    %dma_start3A_28 = arith.constant 0 : i32
    %dma_start3A_29 = arith.constant 0 : i32
    %dma_start3A_30 = arith.constant 0 : i32
    %dma_start3A_31 = tpu.memref_slice %arg6[%dma_start3A_26, %dma_start3A_28, %dma_start3A_29, %dma_start3A_30] : memref<3x32x8x128xf32, #tpu.memory_space<vmem>> -> memref<1x32x8x128xf32, #tpu.memory_space<vmem>>
    %dma_start3A_32 = tpu.memref_squeeze %dma_start3A_31 : memref<1x32x8x128xf32, #tpu.memory_space<vmem>> -> memref<32x8x128xf32, #tpu.memory_space<vmem>>
    %dma_start3A_33 = arith.constant 0 : i32
    %dma_start3A_34 = arith.constant 0 : i32
    %dma_start3A_35 = tpu.memref_slice %arg2[%add3A_25, %dma_start3A_33, %dma_start3A_34] : memref<8192x8x128xf32, #tpu.memory_space<hbm>> -> memref<32x8x128xf32, #tpu.memory_space<hbm>>
    %dma_start3A_36 = tpu.memref_slice %arg7[%dma_start3A_27] : memref<3x!tpu.dma_semaphore, #tpu.memory_space<semaphore_mem>> -> memref<1x!tpu.dma_semaphore, #tpu.memory_space<semaphore_mem>>
    %dma_start3A_37 = tpu.memref_squeeze %dma_start3A_36 : memref<1x!tpu.dma_semaphore, #tpu.memory_space<semaphore_mem>> -> memref<!tpu.dma_semaphore, #tpu.memory_space<semaphore_mem>>
    %dma_start3A_38 = arith.constant 0 : i32
    %dma_start3A_39 = arith.constant 0 : i32
    %dma_start3A_40 = arith.constant 0 : i32
    %dma_start3A_41 = tpu.memref_slice %arg6[%dma_start3A_26, %dma_start3A_38, %dma_start3A_39, %dma_start3A_40] : memref<3x32x8x128xf32, #tpu.memory_space<vmem>> -> memref<1x32x8x128xf32, #tpu.memory_space<vmem>>
    %dma_start3A_42 = tpu.memref_squeeze %dma_start3A_41 : memref<1x32x8x128xf32, #tpu.memory_space<vmem>> -> memref<32x8x128xf32, #tpu.memory_space<vmem>>
    %dma_start3A_43 = arith.constant 0 : i32
    %dma_start3A_44 = arith.constant 0 : i32
    %dma_start3A_45 = tpu.memref_slice %arg2[%add3A_25, %dma_start3A_43, %dma_start3A_44] : memref<8192x8x128xf32, #tpu.memory_space<hbm>> -> memref<32x8x128xf32, #tpu.memory_space<hbm>>
    tpu.enqueue_dma source(%dma_start3A_45 : memref<32x8x128xf32, #tpu.memory_space<hbm>>) target(%dma_start3A_42 : memref<32x8x128xf32, #tpu.memory_space<vmem>>) target_semaphore(%dma_start3A_37 : memref<!tpu.dma_semaphore, #tpu.memory_space<semaphore_mem>>)
    %add3A_46 = arith.constant 64 : i32
    %add3A_47 = arith.addi %mul3A_2, %add3A_46 : i32
    %dma_start3A_48 = arith.constant 2 : i32
    %dma_start3A_49 = arith.constant 2 : i32
    %dma_start3A_50 = arith.constant 0 : i32
    %dma_start3A_51 = arith.constant 0 : i32
    %dma_start3A_52 = arith.constant 0 : i32
    %dma_start3A_53 = tpu.memref_slice %arg6[%dma_start3A_48, %dma_start3A_50, %dma_start3A_51, %dma_start3A_52] : memref<3x32x8x128xf32, #tpu.memory_space<vmem>> -> memref<1x32x8x128xf32, #tpu.memory_space<vmem>>
    %dma_start3A_54 = tpu.memref_squeeze %dma_start3A_53 : memref<1x32x8x128xf32, #tpu.memory_space<vmem>> -> memref<32x8x128xf32, #tpu.memory_space<vmem>>
    %dma_start3A_55 = arith.constant 0 : i32
    %dma_start3A_56 = arith.constant 0 : i32
    %dma_start3A_57 = tpu.memref_slice %arg2[%add3A_47, %dma_start3A_55, %dma_start3A_56] : memref<8192x8x128xf32, #tpu.memory_space<hbm>> -> memref<32x8x128xf32, #tpu.memory_space<hbm>>
    %dma_start3A_58 = tpu.memref_slice %arg7[%dma_start3A_49] : memref<3x!tpu.dma_semaphore, #tpu.memory_space<semaphore_mem>> -> memref<1x!tpu.dma_semaphore, #tpu.memory_space<semaphore_mem>>
    %dma_start3A_59 = tpu.memref_squeeze %dma_start3A_58 : memref<1x!tpu.dma_semaphore, #tpu.memory_space<semaphore_mem>> -> memref<!tpu.dma_semaphore, #tpu.memory_space<semaphore_mem>>
    %dma_start3A_60 = arith.constant 0 : i32
    %dma_start3A_61 = arith.constant 0 : i32
    %dma_start3A_62 = arith.constant 0 : i32
    %dma_start3A_63 = tpu.memref_slice %arg6[%dma_start3A_48, %dma_start3A_60, %dma_start3A_61, %dma_start3A_62] : memref<3x32x8x128xf32, #tpu.memory_space<vmem>> -> memref<1x32x8x128xf32, #tpu.memory_space<vmem>>
    %dma_start3A_64 = tpu.memref_squeeze %dma_start3A_63 : memref<1x32x8x128xf32, #tpu.memory_space<vmem>> -> memref<32x8x128xf32, #tpu.memory_space<vmem>>
    %dma_start3A_65 = arith.constant 0 : i32
    %dma_start3A_66 = arith.constant 0 : i32
    %dma_start3A_67 = tpu.memref_slice %arg2[%add3A_47, %dma_start3A_65, %dma_start3A_66] : memref<8192x8x128xf32, #tpu.memory_space<hbm>> -> memref<32x8x128xf32, #tpu.memory_space<hbm>>
    tpu.enqueue_dma source(%dma_start3A_67 : memref<32x8x128xf32, #tpu.memory_space<hbm>>) target(%dma_start3A_64 : memref<32x8x128xf32, #tpu.memory_space<vmem>>) target_semaphore(%dma_start3A_59 : memref<!tpu.dma_semaphore, #tpu.memory_space<semaphore_mem>>)
    %add3A_68 = arith.constant 0 : i32
    %add3A_69 = arith.addi %mul3A_2, %add3A_68 : i32
    %dma_wait3A = arith.constant 0 : i32
    %dma_wait3A_70 = arith.constant 0 : i32
    %dma_wait3A_71 = arith.constant 0 : i32
    %dma_wait3A_72 = arith.constant 0 : i32
    %dma_wait3A_73 = arith.constant 0 : i32
    %dma_wait3A_74 = tpu.memref_slice %arg6[%dma_wait3A, %dma_wait3A_71, %dma_wait3A_72, %dma_wait3A_73] : memref<3x32x8x128xf32, #tpu.memory_space<vmem>> -> memref<1x32x8x128xf32, #tpu.memory_space<vmem>>
    %dma_wait3A_75 = tpu.memref_squeeze %dma_wait3A_74 : memref<1x32x8x128xf32, #tpu.memory_space<vmem>> -> memref<32x8x128xf32, #tpu.memory_space<vmem>>
    %dma_wait3A_76 = arith.constant 0 : i32
    %dma_wait3A_77 = arith.constant 0 : i32
    %dma_wait3A_78 = tpu.memref_slice %arg2[%add3A_69, %dma_wait3A_76, %dma_wait3A_77] : memref<8192x8x128xf32, #tpu.memory_space<hbm>> -> memref<32x8x128xf32, #tpu.memory_space<hbm>>
    %dma_wait3A_79 = tpu.memref_slice %arg7[%dma_wait3A_70] : memref<3x!tpu.dma_semaphore, #tpu.memory_space<semaphore_mem>> -> memref<1x!tpu.dma_semaphore, #tpu.memory_space<semaphore_mem>>
    %dma_wait3A_80 = tpu.memref_squeeze %dma_wait3A_79 : memref<1x!tpu.dma_semaphore, #tpu.memory_space<semaphore_mem>> -> memref<!tpu.dma_semaphore, #tpu.memory_space<semaphore_mem>>
    %dma_wait3A_81 = arith.constant 0 : i32
    %dma_wait3A_82 = arith.constant 0 : i32
    %dma_wait3A_83 = arith.constant 0 : i32
    %dma_wait3A_84 = tpu.memref_slice %arg6[%dma_wait3A, %dma_wait3A_81, %dma_wait3A_82, %dma_wait3A_83] : memref<3x32x8x128xf32, #tpu.memory_space<vmem>> -> memref<1x32x8x128xf32, #tpu.memory_space<vmem>>
    %dma_wait3A_85 = tpu.memref_squeeze %dma_wait3A_84 : memref<1x32x8x128xf32, #tpu.memory_space<vmem>> -> memref<32x8x128xf32, #tpu.memory_space<vmem>>
    %dma_wait3A_86 = arith.constant 0 : i32
    %dma_wait3A_87 = arith.constant 0 : i32
    %dma_wait3A_88 = tpu.memref_slice %arg2[%add3A_69, %dma_wait3A_86, %dma_wait3A_87] : memref<8192x8x128xf32, #tpu.memory_space<hbm>> -> memref<32x8x128xf32, #tpu.memory_space<hbm>>
    tpu.wait_dma2 semaphore(%dma_wait3A_80 : memref<!tpu.dma_semaphore, #tpu.memory_space<semaphore_mem>>) src(%dma_wait3A_88 : memref<32x8x128xf32, #tpu.memory_space<hbm>>) dst(%dma_wait3A_85 : memref<32x8x128xf32, #tpu.memory_space<vmem>>)
    %add3A_89 = arith.constant 0 : i32
    %add3A_90 = arith.addi %mul3A_2, %add3A_89 : i32
    %dma_start3A_91 = arith.constant 0 : i32
    %dma_start3A_92 = arith.constant 0 : i32
    %dma_start3A_93 = arith.constant 0 : i32
    %dma_start3A_94 = arith.constant 0 : i32
    %dma_start3A_95 = arith.constant 0 : i32
    %dma_start3A_96 = tpu.memref_slice %arg6[%dma_start3A_91, %dma_start3A_93, %dma_start3A_94, %dma_start3A_95] : memref<3x32x8x128xf32, #tpu.memory_space<vmem>> -> memref<1x32x8x128xf32, #tpu.memory_space<vmem>>
    %dma_start3A_97 = tpu.memref_squeeze %dma_start3A_96 : memref<1x32x8x128xf32, #tpu.memory_space<vmem>> -> memref<32x8x128xf32, #tpu.memory_space<vmem>>
    %dma_start3A_98 = arith.constant 0 : i32
    %dma_start3A_99 = arith.constant 0 : i32
    %dma_start3A_100 = tpu.memref_slice %arg4[%add3A_90, %dma_start3A_98, %dma_start3A_99] : memref<8192x8x128xf32, #tpu.memory_space<hbm>> -> memref<32x8x128xf32, #tpu.memory_space<hbm>>
    %dma_start3A_101 = tpu.memref_slice %arg8[%dma_start3A_92] : memref<3x!tpu.dma_semaphore, #tpu.memory_space<semaphore_mem>> -> memref<1x!tpu.dma_semaphore, #tpu.memory_space<semaphore_mem>>
    %dma_start3A_102 = tpu.memref_squeeze %dma_start3A_101 : memref<1x!tpu.dma_semaphore, #tpu.memory_space<semaphore_mem>> -> memref<!tpu.dma_semaphore, #tpu.memory_space<semaphore_mem>>
    %dma_start3A_103 = arith.constant 0 : i32
    %dma_start3A_104 = arith.constant 0 : i32
    %dma_start3A_105 = tpu.memref_slice %arg4[%add3A_90, %dma_start3A_103, %dma_start3A_104] : memref<8192x8x128xf32, #tpu.memory_space<hbm>> -> memref<32x8x128xf32, #tpu.memory_space<hbm>>
    %dma_start3A_106 = arith.constant 0 : i32
    %dma_start3A_107 = arith.constant 0 : i32
    %dma_start3A_108 = arith.constant 0 : i32
    %dma_start3A_109 = tpu.memref_slice %arg6[%dma_start3A_91, %dma_start3A_106, %dma_start3A_107, %dma_start3A_108] : memref<3x32x8x128xf32, #tpu.memory_space<vmem>> -> memref<1x32x8x128xf32, #tpu.memory_space<vmem>>
    %dma_start3A_110 = tpu.memref_squeeze %dma_start3A_109 : memref<1x32x8x128xf32, #tpu.memory_space<vmem>> -> memref<32x8x128xf32, #tpu.memory_space<vmem>>
    tpu.enqueue_dma source(%dma_start3A_110 : memref<32x8x128xf32, #tpu.memory_space<vmem>>) target(%dma_start3A_105 : memref<32x8x128xf32, #tpu.memory_space<hbm>>) target_semaphore(%dma_start3A_102 : memref<!tpu.dma_semaphore, #tpu.memory_space<semaphore_mem>>)
    %add3A_111 = arith.constant 0 : i32
    %add3A_112 = arith.addi %mul3A_2, %add3A_111 : i32
    %dma_wait3A_113 = arith.constant 0 : i32
    %dma_wait3A_114 = arith.constant 0 : i32
    %dma_wait3A_115 = arith.constant 0 : i32
    %dma_wait3A_116 = arith.constant 0 : i32
    %dma_wait3A_117 = arith.constant 0 : i32
    %dma_wait3A_118 = tpu.memref_slice %arg6[%dma_wait3A_113, %dma_wait3A_115, %dma_wait3A_116, %dma_wait3A_117] : memref<3x32x8x128xf32, #tpu.memory_space<vmem>> -> memref<1x32x8x128xf32, #tpu.memory_space<vmem>>
    %dma_wait3A_119 = tpu.memref_squeeze %dma_wait3A_118 : memref<1x32x8x128xf32, #tpu.memory_space<vmem>> -> memref<32x8x128xf32, #tpu.memory_space<vmem>>
    %dma_wait3A_120 = arith.constant 0 : i32
    %dma_wait3A_121 = arith.constant 0 : i32
    %dma_wait3A_122 = tpu.memref_slice %arg4[%add3A_112, %dma_wait3A_120, %dma_wait3A_121] : memref<8192x8x128xf32, #tpu.memory_space<hbm>> -> memref<32x8x128xf32, #tpu.memory_space<hbm>>
    %dma_wait3A_123 = tpu.memref_slice %arg8[%dma_wait3A_114] : memref<3x!tpu.dma_semaphore, #tpu.memory_space<semaphore_mem>> -> memref<1x!tpu.dma_semaphore, #tpu.memory_space<semaphore_mem>>
    %dma_wait3A_124 = tpu.memref_squeeze %dma_wait3A_123 : memref<1x!tpu.dma_semaphore, #tpu.memory_space<semaphore_mem>> -> memref<!tpu.dma_semaphore, #tpu.memory_space<semaphore_mem>>
    %dma_wait3A_125 = arith.constant 0 : i32
    %dma_wait3A_126 = arith.constant 0 : i32
    %dma_wait3A_127 = tpu.memref_slice %arg4[%add3A_112, %dma_wait3A_125, %dma_wait3A_126] : memref<8192x8x128xf32, #tpu.memory_space<hbm>> -> memref<32x8x128xf32, #tpu.memory_space<hbm>>
    %dma_wait3A_128 = arith.constant 0 : i32
    %dma_wait3A_129 = arith.constant 0 : i32
    %dma_wait3A_130 = arith.constant 0 : i32
    %dma_wait3A_131 = tpu.memref_slice %arg6[%dma_wait3A_113, %dma_wait3A_128, %dma_wait3A_129, %dma_wait3A_130] : memref<3x32x8x128xf32, #tpu.memory_space<vmem>> -> memref<1x32x8x128xf32, #tpu.memory_space<vmem>>
    %dma_wait3A_132 = tpu.memref_squeeze %dma_wait3A_131 : memref<1x32x8x128xf32, #tpu.memory_space<vmem>> -> memref<32x8x128xf32, #tpu.memory_space<vmem>>
    tpu.wait_dma2 semaphore(%dma_wait3A_124 : memref<!tpu.dma_semaphore, #tpu.memory_space<semaphore_mem>>) src(%dma_wait3A_132 : memref<32x8x128xf32, #tpu.memory_space<vmem>>) dst(%dma_wait3A_127 : memref<32x8x128xf32, #tpu.memory_space<hbm>>)
    %add3A_133 = arith.constant 96 : i32
    %add3A_134 = arith.addi %mul3A_2, %add3A_133 : i32
    %dma_start3A_135 = arith.constant 0 : i32
    %dma_start3A_136 = arith.constant 0 : i32
    %dma_start3A_137 = arith.constant 0 : i32
    %dma_start3A_138 = arith.constant 0 : i32
    %dma_start3A_139 = arith.constant 0 : i32
    %dma_start3A_140 = tpu.memref_slice %arg6[%dma_start3A_135, %dma_start3A_137, %dma_start3A_138, %dma_start3A_139] : memref<3x32x8x128xf32, #tpu.memory_space<vmem>> -> memref<1x32x8x128xf32, #tpu.memory_space<vmem>>
    %dma_start3A_141 = tpu.memref_squeeze %dma_start3A_140 : memref<1x32x8x128xf32, #tpu.memory_space<vmem>> -> memref<32x8x128xf32, #tpu.memory_space<vmem>>
    %dma_start3A_142 = arith.constant 0 : i32
    %dma_start3A_143 = arith.constant 0 : i32
    %dma_start3A_144 = tpu.memref_slice %arg2[%add3A_134, %dma_start3A_142, %dma_start3A_143] : memref<8192x8x128xf32, #tpu.memory_space<hbm>> -> memref<32x8x128xf32, #tpu.memory_space<hbm>>
    %dma_start3A_145 = tpu.memref_slice %arg7[%dma_start3A_136] : memref<3x!tpu.dma_semaphore, #tpu.memory_space<semaphore_mem>> -> memref<1x!tpu.dma_semaphore, #tpu.memory_space<semaphore_mem>>
    %dma_start3A_146 = tpu.memref_squeeze %dma_start3A_145 : memref<1x!tpu.dma_semaphore, #tpu.memory_space<semaphore_mem>> -> memref<!tpu.dma_semaphore, #tpu.memory_space<semaphore_mem>>
    %dma_start3A_147 = arith.constant 0 : i32
    %dma_start3A_148 = arith.constant 0 : i32
    %dma_start3A_149 = arith.constant 0 : i32
    %dma_start3A_150 = tpu.memref_slice %arg6[%dma_start3A_135, %dma_start3A_147, %dma_start3A_148, %dma_start3A_149] : memref<3x32x8x128xf32, #tpu.memory_space<vmem>> -> memref<1x32x8x128xf32, #tpu.memory_space<vmem>>
    %dma_start3A_151 = tpu.memref_squeeze %dma_start3A_150 : memref<1x32x8x128xf32, #tpu.memory_space<vmem>> -> memref<32x8x128xf32, #tpu.memory_space<vmem>>
    %dma_start3A_152 = arith.constant 0 : i32
    %dma_start3A_153 = arith.constant 0 : i32
    %dma_start3A_154 = tpu.memref_slice %arg2[%add3A_134, %dma_start3A_152, %dma_start3A_153] : memref<8192x8x128xf32, #tpu.memory_space<hbm>> -> memref<32x8x128xf32, #tpu.memory_space<hbm>>
    tpu.enqueue_dma source(%dma_start3A_154 : memref<32x8x128xf32, #tpu.memory_space<hbm>>) target(%dma_start3A_151 : memref<32x8x128xf32, #tpu.memory_space<vmem>>) target_semaphore(%dma_start3A_146 : memref<!tpu.dma_semaphore, #tpu.memory_space<semaphore_mem>>)
    %add3A_155 = arith.constant 32 : i32
    %add3A_156 = arith.addi %mul3A_2, %add3A_155 : i32
    %dma_wait3A_157 = arith.constant 1 : i32
    %dma_wait3A_158 = arith.constant 1 : i32
    %dma_wait3A_159 = arith.constant 0 : i32
    %dma_wait3A_160 = arith.constant 0 : i32
    %dma_wait3A_161 = arith.constant 0 : i32
    %dma_wait3A_162 = tpu.memref_slice %arg6[%dma_wait3A_157, %dma_wait3A_159, %dma_wait3A_160, %dma_wait3A_161] : memref<3x32x8x128xf32, #tpu.memory_space<vmem>> -> memref<1x32x8x128xf32, #tpu.memory_space<vmem>>
    %dma_wait3A_163 = tpu.memref_squeeze %dma_wait3A_162 : memref<1x32x8x128xf32, #tpu.memory_space<vmem>> -> memref<32x8x128xf32, #tpu.memory_space<vmem>>
    %dma_wait3A_164 = arith.constant 0 : i32
    %dma_wait3A_165 = arith.constant 0 : i32
    %dma_wait3A_166 = tpu.memref_slice %arg2[%add3A_156, %dma_wait3A_164, %dma_wait3A_165] : memref<8192x8x128xf32, #tpu.memory_space<hbm>> -> memref<32x8x128xf32, #tpu.memory_space<hbm>>
    %dma_wait3A_167 = tpu.memref_slice %arg7[%dma_wait3A_158] : memref<3x!tpu.dma_semaphore, #tpu.memory_space<semaphore_mem>> -> memref<1x!tpu.dma_semaphore, #tpu.memory_space<semaphore_mem>>
    %dma_wait3A_168 = tpu.memref_squeeze %dma_wait3A_167 : memref<1x!tpu.dma_semaphore, #tpu.memory_space<semaphore_mem>> -> memref<!tpu.dma_semaphore, #tpu.memory_space<semaphore_mem>>
    %dma_wait3A_169 = arith.constant 0 : i32
    %dma_wait3A_170 = arith.constant 0 : i32
    %dma_wait3A_171 = arith.constant 0 : i32
    %dma_wait3A_172 = tpu.memref_slice %arg6[%dma_wait3A_157, %dma_wait3A_169, %dma_wait3A_170, %dma_wait3A_171] : memref<3x32x8x128xf32, #tpu.memory_space<vmem>> -> memref<1x32x8x128xf32, #tpu.memory_space<vmem>>
    %dma_wait3A_173 = tpu.memref_squeeze %dma_wait3A_172 : memref<1x32x8x128xf32, #tpu.memory_space<vmem>> -> memref<32x8x128xf32, #tpu.memory_space<vmem>>
    %dma_wait3A_174 = arith.constant 0 : i32
    %dma_wait3A_175 = arith.constant 0 : i32
    %dma_wait3A_176 = tpu.memref_slice %arg2[%add3A_156, %dma_wait3A_174, %dma_wait3A_175] : memref<8192x8x128xf32, #tpu.memory_space<hbm>> -> memref<32x8x128xf32, #tpu.memory_space<hbm>>
    tpu.wait_dma2 semaphore(%dma_wait3A_168 : memref<!tpu.dma_semaphore, #tpu.memory_space<semaphore_mem>>) src(%dma_wait3A_176 : memref<32x8x128xf32, #tpu.memory_space<hbm>>) dst(%dma_wait3A_173 : memref<32x8x128xf32, #tpu.memory_space<vmem>>)
    %add3A_177 = arith.constant 32 : i32
    %add3A_178 = arith.addi %mul3A_2, %add3A_177 : i32
    %dma_start3A_179 = arith.constant 1 : i32
    %dma_start3A_180 = arith.constant 1 : i32
    %dma_start3A_181 = arith.constant 0 : i32
    %dma_start3A_182 = arith.constant 0 : i32
    %dma_start3A_183 = arith.constant 0 : i32
    %dma_start3A_184 = tpu.memref_slice %arg6[%dma_start3A_179, %dma_start3A_181, %dma_start3A_182, %dma_start3A_183] : memref<3x32x8x128xf32, #tpu.memory_space<vmem>> -> memref<1x32x8x128xf32, #tpu.memory_space<vmem>>
    %dma_start3A_185 = tpu.memref_squeeze %dma_start3A_184 : memref<1x32x8x128xf32, #tpu.memory_space<vmem>> -> memref<32x8x128xf32, #tpu.memory_space<vmem>>
    %dma_start3A_186 = arith.constant 0 : i32
    %dma_start3A_187 = arith.constant 0 : i32
    %dma_start3A_188 = tpu.memref_slice %arg4[%add3A_178, %dma_start3A_186, %dma_start3A_187] : memref<8192x8x128xf32, #tpu.memory_space<hbm>> -> memref<32x8x128xf32, #tpu.memory_space<hbm>>
    %dma_start3A_189 = tpu.memref_slice %arg8[%dma_start3A_180] : memref<3x!tpu.dma_semaphore, #tpu.memory_space<semaphore_mem>> -> memref<1x!tpu.dma_semaphore, #tpu.memory_space<semaphore_mem>>
    %dma_start3A_190 = tpu.memref_squeeze %dma_start3A_189 : memref<1x!tpu.dma_semaphore, #tpu.memory_space<semaphore_mem>> -> memref<!tpu.dma_semaphore, #tpu.memory_space<semaphore_mem>>
    %dma_start3A_191 = arith.constant 0 : i32
    %dma_start3A_192 = arith.constant 0 : i32
    %dma_start3A_193 = tpu.memref_slice %arg4[%add3A_178, %dma_start3A_191, %dma_start3A_192] : memref<8192x8x128xf32, #tpu.memory_space<hbm>> -> memref<32x8x128xf32, #tpu.memory_space<hbm>>
    %dma_start3A_194 = arith.constant 0 : i32
    %dma_start3A_195 = arith.constant 0 : i32
    %dma_start3A_196 = arith.constant 0 : i32
    %dma_start3A_197 = tpu.memref_slice %arg6[%dma_start3A_179, %dma_start3A_194, %dma_start3A_195, %dma_start3A_196] : memref<3x32x8x128xf32, #tpu.memory_space<vmem>> -> memref<1x32x8x128xf32, #tpu.memory_space<vmem>>
    %dma_start3A_198 = tpu.memref_squeeze %dma_start3A_197 : memref<1x32x8x128xf32, #tpu.memory_space<vmem>> -> memref<32x8x128xf32, #tpu.memory_space<vmem>>
    tpu.enqueue_dma source(%dma_start3A_198 : memref<32x8x128xf32, #tpu.memory_space<vmem>>) target(%dma_start3A_193 : memref<32x8x128xf32, #tpu.memory_space<hbm>>) target_semaphore(%dma_start3A_190 : memref<!tpu.dma_semaphore, #tpu.memory_space<semaphore_mem>>)
    %add3A_199 = arith.constant 32 : i32
    %add3A_200 = arith.addi %mul3A_2, %add3A_199 : i32
    %dma_wait3A_201 = arith.constant 1 : i32
    %dma_wait3A_202 = arith.constant 1 : i32
    %dma_wait3A_203 = arith.constant 0 : i32
    %dma_wait3A_204 = arith.constant 0 : i32
    %dma_wait3A_205 = arith.constant 0 : i32
    %dma_wait3A_206 = tpu.memref_slice %arg6[%dma_wait3A_201, %dma_wait3A_203, %dma_wait3A_204, %dma_wait3A_205] : memref<3x32x8x128xf32, #tpu.memory_space<vmem>> -> memref<1x32x8x128xf32, #tpu.memory_space<vmem>>
    %dma_wait3A_207 = tpu.memref_squeeze %dma_wait3A_206 : memref<1x32x8x128xf32, #tpu.memory_space<vmem>> -> memref<32x8x128xf32, #tpu.memory_space<vmem>>
    %dma_wait3A_208 = arith.constant 0 : i32
    %dma_wait3A_209 = arith.constant 0 : i32
    %dma_wait3A_210 = tpu.memref_slice %arg4[%add3A_200, %dma_wait3A_208, %dma_wait3A_209] : memref<8192x8x128xf32, #tpu.memory_space<hbm>> -> memref<32x8x128xf32, #tpu.memory_space<hbm>>
    %dma_wait3A_211 = tpu.memref_slice %arg8[%dma_wait3A_202] : memref<3x!tpu.dma_semaphore, #tpu.memory_space<semaphore_mem>> -> memref<1x!tpu.dma_semaphore, #tpu.memory_space<semaphore_mem>>
    %dma_wait3A_212 = tpu.memref_squeeze %dma_wait3A_211 : memref<1x!tpu.dma_semaphore, #tpu.memory_space<semaphore_mem>> -> memref<!tpu.dma_semaphore, #tpu.memory_space<semaphore_mem>>
    %dma_wait3A_213 = arith.constant 0 : i32
    %dma_wait3A_214 = arith.constant 0 : i32
    %dma_wait3A_215 = tpu.memref_slice %arg4[%add3A_200, %dma_wait3A_213, %dma_wait3A_214] : memref<8192x8x128xf32, #tpu.memory_space<hbm>> -> memref<32x8x128xf32, #tpu.memory_space<hbm>>
    %dma_wait3A_216 = arith.constant 0 : i32
    %dma_wait3A_217 = arith.constant 0 : i32
    %dma_wait3A_218 = arith.constant 0 : i32
    %dma_wait3A_219 = tpu.memref_slice %arg6[%dma_wait3A_201, %dma_wait3A_216, %dma_wait3A_217, %dma_wait3A_218] : memref<3x32x8x128xf32, #tpu.memory_space<vmem>> -> memref<1x32x8x128xf32, #tpu.memory_space<vmem>>
    %dma_wait3A_220 = tpu.memref_squeeze %dma_wait3A_219 : memref<1x32x8x128xf32, #tpu.memory_space<vmem>> -> memref<32x8x128xf32, #tpu.memory_space<vmem>>
    tpu.wait_dma2 semaphore(%dma_wait3A_212 : memref<!tpu.dma_semaphore, #tpu.memory_space<semaphore_mem>>) src(%dma_wait3A_220 : memref<32x8x128xf32, #tpu.memory_space<vmem>>) dst(%dma_wait3A_215 : memref<32x8x128xf32, #tpu.memory_space<hbm>>)
    %add3A_221 = arith.constant 128 : i32
    %add3A_222 = arith.addi %mul3A_2, %add3A_221 : i32
    %dma_start3A_223 = arith.constant 1 : i32
    %dma_start3A_224 = arith.constant 1 : i32
    %dma_start3A_225 = arith.constant 0 : i32
    %dma_start3A_226 = arith.constant 0 : i32
    %dma_start3A_227 = arith.constant 0 : i32
    %dma_start3A_228 = tpu.memref_slice %arg6[%dma_start3A_223, %dma_start3A_225, %dma_start3A_226, %dma_start3A_227] : memref<3x32x8x128xf32, #tpu.memory_space<vmem>> -> memref<1x32x8x128xf32, #tpu.memory_space<vmem>>
    %dma_start3A_229 = tpu.memref_squeeze %dma_start3A_228 : memref<1x32x8x128xf32, #tpu.memory_space<vmem>> -> memref<32x8x128xf32, #tpu.memory_space<vmem>>
    %dma_start3A_230 = arith.constant 0 : i32
    %dma_start3A_231 = arith.constant 0 : i32
    %dma_start3A_232 = tpu.memref_slice %arg2[%add3A_222, %dma_start3A_230, %dma_start3A_231] : memref<8192x8x128xf32, #tpu.memory_space<hbm>> -> memref<32x8x128xf32, #tpu.memory_space<hbm>>
    %dma_start3A_233 = tpu.memref_slice %arg7[%dma_start3A_224] : memref<3x!tpu.dma_semaphore, #tpu.memory_space<semaphore_mem>> -> memref<1x!tpu.dma_semaphore, #tpu.memory_space<semaphore_mem>>
    %dma_start3A_234 = tpu.memref_squeeze %dma_start3A_233 : memref<1x!tpu.dma_semaphore, #tpu.memory_space<semaphore_mem>> -> memref<!tpu.dma_semaphore, #tpu.memory_space<semaphore_mem>>
    %dma_start3A_235 = arith.constant 0 : i32
    %dma_start3A_236 = arith.constant 0 : i32
    %dma_start3A_237 = arith.constant 0 : i32
    %dma_start3A_238 = tpu.memref_slice %arg6[%dma_start3A_223, %dma_start3A_235, %dma_start3A_236, %dma_start3A_237] : memref<3x32x8x128xf32, #tpu.memory_space<vmem>> -> memref<1x32x8x128xf32, #tpu.memory_space<vmem>>
    %dma_start3A_239 = tpu.memref_squeeze %dma_start3A_238 : memref<1x32x8x128xf32, #tpu.memory_space<vmem>> -> memref<32x8x128xf32, #tpu.memory_space<vmem>>
    %dma_start3A_240 = arith.constant 0 : i32
    %dma_start3A_241 = arith.constant 0 : i32
    %dma_start3A_242 = tpu.memref_slice %arg2[%add3A_222, %dma_start3A_240, %dma_start3A_241] : memref<8192x8x128xf32, #tpu.memory_space<hbm>> -> memref<32x8x128xf32, #tpu.memory_space<hbm>>
    tpu.enqueue_dma source(%dma_start3A_242 : memref<32x8x128xf32, #tpu.memory_space<hbm>>) target(%dma_start3A_239 : memref<32x8x128xf32, #tpu.memory_space<vmem>>) target_semaphore(%dma_start3A_234 : memref<!tpu.dma_semaphore, #tpu.memory_space<semaphore_mem>>)
    %add3A_243 = arith.constant 64 : i32
    %add3A_244 = arith.addi %mul3A_2, %add3A_243 : i32
    %dma_wait3A_245 = arith.constant 2 : i32
    %dma_wait3A_246 = arith.constant 2 : i32
    %dma_wait3A_247 = arith.constant 0 : i32
    %dma_wait3A_248 = arith.constant 0 : i32
    %dma_wait3A_249 = arith.constant 0 : i32
    %dma_wait3A_250 = tpu.memref_slice %arg6[%dma_wait3A_245, %dma_wait3A_247, %dma_wait3A_248, %dma_wait3A_249] : memref<3x32x8x128xf32, #tpu.memory_space<vmem>> -> memref<1x32x8x128xf32, #tpu.memory_space<vmem>>
    %dma_wait3A_251 = tpu.memref_squeeze %dma_wait3A_250 : memref<1x32x8x128xf32, #tpu.memory_space<vmem>> -> memref<32x8x128xf32, #tpu.memory_space<vmem>>
    %dma_wait3A_252 = arith.constant 0 : i32
    %dma_wait3A_253 = arith.constant 0 : i32
    %dma_wait3A_254 = tpu.memref_slice %arg2[%add3A_244, %dma_wait3A_252, %dma_wait3A_253] : memref<8192x8x128xf32, #tpu.memory_space<hbm>> -> memref<32x8x128xf32, #tpu.memory_space<hbm>>
    %dma_wait3A_255 = tpu.memref_slice %arg7[%dma_wait3A_246] : memref<3x!tpu.dma_semaphore, #tpu.memory_space<semaphore_mem>> -> memref<1x!tpu.dma_semaphore, #tpu.memory_space<semaphore_mem>>
    %dma_wait3A_256 = tpu.memref_squeeze %dma_wait3A_255 : memref<1x!tpu.dma_semaphore, #tpu.memory_space<semaphore_mem>> -> memref<!tpu.dma_semaphore, #tpu.memory_space<semaphore_mem>>
    %dma_wait3A_257 = arith.constant 0 : i32
    %dma_wait3A_258 = arith.constant 0 : i32
    %dma_wait3A_259 = arith.constant 0 : i32
    %dma_wait3A_260 = tpu.memref_slice %arg6[%dma_wait3A_245, %dma_wait3A_257, %dma_wait3A_258, %dma_wait3A_259] : memref<3x32x8x128xf32, #tpu.memory_space<vmem>> -> memref<1x32x8x128xf32, #tpu.memory_space<vmem>>
    %dma_wait3A_261 = tpu.memref_squeeze %dma_wait3A_260 : memref<1x32x8x128xf32, #tpu.memory_space<vmem>> -> memref<32x8x128xf32, #tpu.memory_space<vmem>>
    %dma_wait3A_262 = arith.constant 0 : i32
    %dma_wait3A_263 = arith.constant 0 : i32
    %dma_wait3A_264 = tpu.memref_slice %arg2[%add3A_244, %dma_wait3A_262, %dma_wait3A_263] : memref<8192x8x128xf32, #tpu.memory_space<hbm>> -> memref<32x8x128xf32, #tpu.memory_space<hbm>>
    tpu.wait_dma2 semaphore(%dma_wait3A_256 : memref<!tpu.dma_semaphore, #tpu.memory_space<semaphore_mem>>) src(%dma_wait3A_264 : memref<32x8x128xf32, #tpu.memory_space<hbm>>) dst(%dma_wait3A_261 : memref<32x8x128xf32, #tpu.memory_space<vmem>>)
    %add3A_265 = arith.constant 64 : i32
    %add3A_266 = arith.addi %mul3A_2, %add3A_265 : i32
    %dma_start3A_267 = arith.constant 2 : i32
    %dma_start3A_268 = arith.constant 2 : i32
    %dma_start3A_269 = arith.constant 0 : i32
    %dma_start3A_270 = arith.constant 0 : i32
    %dma_start3A_271 = arith.constant 0 : i32
    %dma_start3A_272 = tpu.memref_slice %arg6[%dma_start3A_267, %dma_start3A_269, %dma_start3A_270, %dma_start3A_271] : memref<3x32x8x128xf32, #tpu.memory_space<vmem>> -> memref<1x32x8x128xf32, #tpu.memory_space<vmem>>
    %dma_start3A_273 = tpu.memref_squeeze %dma_start3A_272 : memref<1x32x8x128xf32, #tpu.memory_space<vmem>> -> memref<32x8x128xf32, #tpu.memory_space<vmem>>
    %dma_start3A_274 = arith.constant 0 : i32
    %dma_start3A_275 = arith.constant 0 : i32
    %dma_start3A_276 = tpu.memref_slice %arg4[%add3A_266, %dma_start3A_274, %dma_start3A_275] : memref<8192x8x128xf32, #tpu.memory_space<hbm>> -> memref<32x8x128xf32, #tpu.memory_space<hbm>>
    %dma_start3A_277 = tpu.memref_slice %arg8[%dma_start3A_268] : memref<3x!tpu.dma_semaphore, #tpu.memory_space<semaphore_mem>> -> memref<1x!tpu.dma_semaphore, #tpu.memory_space<semaphore_mem>>
    %dma_start3A_278 = tpu.memref_squeeze %dma_start3A_277 : memref<1x!tpu.dma_semaphore, #tpu.memory_space<semaphore_mem>> -> memref<!tpu.dma_semaphore, #tpu.memory_space<semaphore_mem>>
    %dma_start3A_279 = arith.constant 0 : i32
    %dma_start3A_280 = arith.constant 0 : i32
    %dma_start3A_281 = tpu.memref_slice %arg4[%add3A_266, %dma_start3A_279, %dma_start3A_280] : memref<8192x8x128xf32, #tpu.memory_space<hbm>> -> memref<32x8x128xf32, #tpu.memory_space<hbm>>
    %dma_start3A_282 = arith.constant 0 : i32
    %dma_start3A_283 = arith.constant 0 : i32
    %dma_start3A_284 = arith.constant 0 : i32
    %dma_start3A_285 = tpu.memref_slice %arg6[%dma_start3A_267, %dma_start3A_282, %dma_start3A_283, %dma_start3A_284] : memref<3x32x8x128xf32, #tpu.memory_space<vmem>> -> memref<1x32x8x128xf32, #tpu.memory_space<vmem>>
    %dma_start3A_286 = tpu.memref_squeeze %dma_start3A_285 : memref<1x32x8x128xf32, #tpu.memory_space<vmem>> -> memref<32x8x128xf32, #tpu.memory_space<vmem>>
    tpu.enqueue_dma source(%dma_start3A_286 : memref<32x8x128xf32, #tpu.memory_space<vmem>>) target(%dma_start3A_281 : memref<32x8x128xf32, #tpu.memory_space<hbm>>) target_semaphore(%dma_start3A_278 : memref<!tpu.dma_semaphore, #tpu.memory_space<semaphore_mem>>)
    %add3A_287 = arith.constant 64 : i32
    %add3A_288 = arith.addi %mul3A_2, %add3A_287 : i32
    %dma_wait3A_289 = arith.constant 2 : i32
    %dma_wait3A_290 = arith.constant 2 : i32
    %dma_wait3A_291 = arith.constant 0 : i32
    %dma_wait3A_292 = arith.constant 0 : i32
    %dma_wait3A_293 = arith.constant 0 : i32
    %dma_wait3A_294 = tpu.memref_slice %arg6[%dma_wait3A_289, %dma_wait3A_291, %dma_wait3A_292, %dma_wait3A_293] : memref<3x32x8x128xf32, #tpu.memory_space<vmem>> -> memref<1x32x8x128xf32, #tpu.memory_space<vmem>>
    %dma_wait3A_295 = tpu.memref_squeeze %dma_wait3A_294 : memref<1x32x8x128xf32, #tpu.memory_space<vmem>> -> memref<32x8x128xf32, #tpu.memory_space<vmem>>
    %dma_wait3A_296 = arith.constant 0 : i32
    %dma_wait3A_297 = arith.constant 0 : i32
    %dma_wait3A_298 = tpu.memref_slice %arg4[%add3A_288, %dma_wait3A_296, %dma_wait3A_297] : memref<8192x8x128xf32, #tpu.memory_space<hbm>> -> memref<32x8x128xf32, #tpu.memory_space<hbm>>
    %dma_wait3A_299 = tpu.memref_slice %arg8[%dma_wait3A_290] : memref<3x!tpu.dma_semaphore, #tpu.memory_space<semaphore_mem>> -> memref<1x!tpu.dma_semaphore, #tpu.memory_space<semaphore_mem>>
    %dma_wait3A_300 = tpu.memref_squeeze %dma_wait3A_299 : memref<1x!tpu.dma_semaphore, #tpu.memory_space<semaphore_mem>> -> memref<!tpu.dma_semaphore, #tpu.memory_space<semaphore_mem>>
    %dma_wait3A_301 = arith.constant 0 : i32
    %dma_wait3A_302 = arith.constant 0 : i32
    %dma_wait3A_303 = tpu.memref_slice %arg4[%add3A_288, %dma_wait3A_301, %dma_wait3A_302] : memref<8192x8x128xf32, #tpu.memory_space<hbm>> -> memref<32x8x128xf32, #tpu.memory_space<hbm>>
    %dma_wait3A_304 = arith.constant 0 : i32
    %dma_wait3A_305 = arith.constant 0 : i32
    %dma_wait3A_306 = arith.constant 0 : i32
    %dma_wait3A_307 = tpu.memref_slice %arg6[%dma_wait3A_289, %dma_wait3A_304, %dma_wait3A_305, %dma_wait3A_306] : memref<3x32x8x128xf32, #tpu.memory_space<vmem>> -> memref<1x32x8x128xf32, #tpu.memory_space<vmem>>
    %dma_wait3A_308 = tpu.memref_squeeze %dma_wait3A_307 : memref<1x32x8x128xf32, #tpu.memory_space<vmem>> -> memref<32x8x128xf32, #tpu.memory_space<vmem>>
    tpu.wait_dma2 semaphore(%dma_wait3A_300 : memref<!tpu.dma_semaphore, #tpu.memory_space<semaphore_mem>>) src(%dma_wait3A_308 : memref<32x8x128xf32, #tpu.memory_space<vmem>>) dst(%dma_wait3A_303 : memref<32x8x128xf32, #tpu.memory_space<hbm>>)
    %add3A_309 = arith.constant 160 : i32
    %add3A_310 = arith.addi %mul3A_2, %add3A_309 : i32
    %dma_start3A_311 = arith.constant 2 : i32
    %dma_start3A_312 = arith.constant 2 : i32
    %dma_start3A_313 = arith.constant 0 : i32
    %dma_start3A_314 = arith.constant 0 : i32
    %dma_start3A_315 = arith.constant 0 : i32
    %dma_start3A_316 = tpu.memref_slice %arg6[%dma_start3A_311, %dma_start3A_313, %dma_start3A_314, %dma_start3A_315] : memref<3x32x8x128xf32, #tpu.memory_space<vmem>> -> memref<1x32x8x128xf32, #tpu.memory_space<vmem>>
    %dma_start3A_317 = tpu.memref_squeeze %dma_start3A_316 : memref<1x32x8x128xf32, #tpu.memory_space<vmem>> -> memref<32x8x128xf32, #tpu.memory_space<vmem>>
    %dma_start3A_318 = arith.constant 0 : i32
    %dma_start3A_319 = arith.constant 0 : i32
    %dma_start3A_320 = tpu.memref_slice %arg2[%add3A_310, %dma_start3A_318, %dma_start3A_319] : memref<8192x8x128xf32, #tpu.memory_space<hbm>> -> memref<32x8x128xf32, #tpu.memory_space<hbm>>
    %dma_start3A_321 = tpu.memref_slice %arg7[%dma_start3A_312] : memref<3x!tpu.dma_semaphore, #tpu.memory_space<semaphore_mem>> -> memref<1x!tpu.dma_semaphore, #tpu.memory_space<semaphore_mem>>
    %dma_start3A_322 = tpu.memref_squeeze %dma_start3A_321 : memref<1x!tpu.dma_semaphore, #tpu.memory_space<semaphore_mem>> -> memref<!tpu.dma_semaphore, #tpu.memory_space<semaphore_mem>>
    %dma_start3A_323 = arith.constant 0 : i32
    %dma_start3A_324 = arith.constant 0 : i32
    %dma_start3A_325 = arith.constant 0 : i32
    %dma_start3A_326 = tpu.memref_slice %arg6[%dma_start3A_311, %dma_start3A_323, %dma_start3A_324, %dma_start3A_325] : memref<3x32x8x128xf32, #tpu.memory_space<vmem>> -> memref<1x32x8x128xf32, #tpu.memory_space<vmem>>
    %dma_start3A_327 = tpu.memref_squeeze %dma_start3A_326 : memref<1x32x8x128xf32, #tpu.memory_space<vmem>> -> memref<32x8x128xf32, #tpu.memory_space<vmem>>
    %dma_start3A_328 = arith.constant 0 : i32
    %dma_start3A_329 = arith.constant 0 : i32
    %dma_start3A_330 = tpu.memref_slice %arg2[%add3A_310, %dma_start3A_328, %dma_start3A_329] : memref<8192x8x128xf32, #tpu.memory_space<hbm>> -> memref<32x8x128xf32, #tpu.memory_space<hbm>>
    tpu.enqueue_dma source(%dma_start3A_330 : memref<32x8x128xf32, #tpu.memory_space<hbm>>) target(%dma_start3A_327 : memref<32x8x128xf32, #tpu.memory_space<vmem>>) target_semaphore(%dma_start3A_322 : memref<!tpu.dma_semaphore, #tpu.memory_space<semaphore_mem>>)
    %add3A_331 = arith.constant 96 : i32
    %add3A_332 = arith.addi %mul3A_2, %add3A_331 : i32
    %dma_wait3A_333 = arith.constant 0 : i32
    %dma_wait3A_334 = arith.constant 0 : i32
    %dma_wait3A_335 = arith.constant 0 : i32
    %dma_wait3A_336 = arith.constant 0 : i32
    %dma_wait3A_337 = arith.constant 0 : i32
    %dma_wait3A_338 = tpu.memref_slice %arg6[%dma_wait3A_333, %dma_wait3A_335, %dma_wait3A_336, %dma_wait3A_337] : memref<3x32x8x128xf32, #tpu.memory_space<vmem>> -> memref<1x32x8x128xf32, #tpu.memory_space<vmem>>
    %dma_wait3A_339 = tpu.memref_squeeze %dma_wait3A_338 : memref<1x32x8x128xf32, #tpu.memory_space<vmem>> -> memref<32x8x128xf32, #tpu.memory_space<vmem>>
    %dma_wait3A_340 = arith.constant 0 : i32
    %dma_wait3A_341 = arith.constant 0 : i32
    %dma_wait3A_342 = tpu.memref_slice %arg2[%add3A_332, %dma_wait3A_340, %dma_wait3A_341] : memref<8192x8x128xf32, #tpu.memory_space<hbm>> -> memref<32x8x128xf32, #tpu.memory_space<hbm>>
    %dma_wait3A_343 = tpu.memref_slice %arg7[%dma_wait3A_334] : memref<3x!tpu.dma_semaphore, #tpu.memory_space<semaphore_mem>> -> memref<1x!tpu.dma_semaphore, #tpu.memory_space<semaphore_mem>>
    %dma_wait3A_344 = tpu.memref_squeeze %dma_wait3A_343 : memref<1x!tpu.dma_semaphore, #tpu.memory_space<semaphore_mem>> -> memref<!tpu.dma_semaphore, #tpu.memory_space<semaphore_mem>>
    %dma_wait3A_345 = arith.constant 0 : i32
    %dma_wait3A_346 = arith.constant 0 : i32
    %dma_wait3A_347 = arith.constant 0 : i32
    %dma_wait3A_348 = tpu.memref_slice %arg6[%dma_wait3A_333, %dma_wait3A_345, %dma_wait3A_346, %dma_wait3A_347] : memref<3x32x8x128xf32, #tpu.memory_space<vmem>> -> memref<1x32x8x128xf32, #tpu.memory_space<vmem>>
    %dma_wait3A_349 = tpu.memref_squeeze %dma_wait3A_348 : memref<1x32x8x128xf32, #tpu.memory_space<vmem>> -> memref<32x8x128xf32, #tpu.memory_space<vmem>>
    %dma_wait3A_350 = arith.constant 0 : i32
    %dma_wait3A_351 = arith.constant 0 : i32
    %dma_wait3A_352 = tpu.memref_slice %arg2[%add3A_332, %dma_wait3A_350, %dma_wait3A_351] : memref<8192x8x128xf32, #tpu.memory_space<hbm>> -> memref<32x8x128xf32, #tpu.memory_space<hbm>>
    tpu.wait_dma2 semaphore(%dma_wait3A_344 : memref<!tpu.dma_semaphore, #tpu.memory_space<semaphore_mem>>) src(%dma_wait3A_352 : memref<32x8x128xf32, #tpu.memory_space<hbm>>) dst(%dma_wait3A_349 : memref<32x8x128xf32, #tpu.memory_space<vmem>>)
    %add3A_353 = arith.constant 96 : i32
    %add3A_354 = arith.addi %mul3A_2, %add3A_353 : i32
    %dma_start3A_355 = arith.constant 0 : i32
    %dma_start3A_356 = arith.constant 0 : i32
    %dma_start3A_357 = arith.constant 0 : i32
    %dma_start3A_358 = arith.constant 0 : i32
    %dma_start3A_359 = arith.constant 0 : i32
    %dma_start3A_360 = tpu.memref_slice %arg6[%dma_start3A_355, %dma_start3A_357, %dma_start3A_358, %dma_start3A_359] : memref<3x32x8x128xf32, #tpu.memory_space<vmem>> -> memref<1x32x8x128xf32, #tpu.memory_space<vmem>>
    %dma_start3A_361 = tpu.memref_squeeze %dma_start3A_360 : memref<1x32x8x128xf32, #tpu.memory_space<vmem>> -> memref<32x8x128xf32, #tpu.memory_space<vmem>>
    %dma_start3A_362 = arith.constant 0 : i32
    %dma_start3A_363 = arith.constant 0 : i32
    %dma_start3A_364 = tpu.memref_slice %arg4[%add3A_354, %dma_start3A_362, %dma_start3A_363] : memref<8192x8x128xf32, #tpu.memory_space<hbm>> -> memref<32x8x128xf32, #tpu.memory_space<hbm>>
    %dma_start3A_365 = tpu.memref_slice %arg8[%dma_start3A_356] : memref<3x!tpu.dma_semaphore, #tpu.memory_space<semaphore_mem>> -> memref<1x!tpu.dma_semaphore, #tpu.memory_space<semaphore_mem>>
    %dma_start3A_366 = tpu.memref_squeeze %dma_start3A_365 : memref<1x!tpu.dma_semaphore, #tpu.memory_space<semaphore_mem>> -> memref<!tpu.dma_semaphore, #tpu.memory_space<semaphore_mem>>
    %dma_start3A_367 = arith.constant 0 : i32
    %dma_start3A_368 = arith.constant 0 : i32
    %dma_start3A_369 = tpu.memref_slice %arg4[%add3A_354, %dma_start3A_367, %dma_start3A_368] : memref<8192x8x128xf32, #tpu.memory_space<hbm>> -> memref<32x8x128xf32, #tpu.memory_space<hbm>>
    %dma_start3A_370 = arith.constant 0 : i32
    %dma_start3A_371 = arith.constant 0 : i32
    %dma_start3A_372 = arith.constant 0 : i32
    %dma_start3A_373 = tpu.memref_slice %arg6[%dma_start3A_355, %dma_start3A_370, %dma_start3A_371, %dma_start3A_372] : memref<3x32x8x128xf32, #tpu.memory_space<vmem>> -> memref<1x32x8x128xf32, #tpu.memory_space<vmem>>
    %dma_start3A_374 = tpu.memref_squeeze %dma_start3A_373 : memref<1x32x8x128xf32, #tpu.memory_space<vmem>> -> memref<32x8x128xf32, #tpu.memory_space<vmem>>
    tpu.enqueue_dma source(%dma_start3A_374 : memref<32x8x128xf32, #tpu.memory_space<vmem>>) target(%dma_start3A_369 : memref<32x8x128xf32, #tpu.memory_space<hbm>>) target_semaphore(%dma_start3A_366 : memref<!tpu.dma_semaphore, #tpu.memory_space<semaphore_mem>>)
    %add3A_375 = arith.constant 96 : i32
    %add3A_376 = arith.addi %mul3A_2, %add3A_375 : i32
    %dma_wait3A_377 = arith.constant 0 : i32
    %dma_wait3A_378 = arith.constant 0 : i32
    %dma_wait3A_379 = arith.constant 0 : i32
    %dma_wait3A_380 = arith.constant 0 : i32
    %dma_wait3A_381 = arith.constant 0 : i32
    %dma_wait3A_382 = tpu.memref_slice %arg6[%dma_wait3A_377, %dma_wait3A_379, %dma_wait3A_380, %dma_wait3A_381] : memref<3x32x8x128xf32, #tpu.memory_space<vmem>> -> memref<1x32x8x128xf32, #tpu.memory_space<vmem>>
    %dma_wait3A_383 = tpu.memref_squeeze %dma_wait3A_382 : memref<1x32x8x128xf32, #tpu.memory_space<vmem>> -> memref<32x8x128xf32, #tpu.memory_space<vmem>>
    %dma_wait3A_384 = arith.constant 0 : i32
    %dma_wait3A_385 = arith.constant 0 : i32
    %dma_wait3A_386 = tpu.memref_slice %arg4[%add3A_376, %dma_wait3A_384, %dma_wait3A_385] : memref<8192x8x128xf32, #tpu.memory_space<hbm>> -> memref<32x8x128xf32, #tpu.memory_space<hbm>>
    %dma_wait3A_387 = tpu.memref_slice %arg8[%dma_wait3A_378] : memref<3x!tpu.dma_semaphore, #tpu.memory_space<semaphore_mem>> -> memref<1x!tpu.dma_semaphore, #tpu.memory_space<semaphore_mem>>
    %dma_wait3A_388 = tpu.memref_squeeze %dma_wait3A_387 : memref<1x!tpu.dma_semaphore, #tpu.memory_space<semaphore_mem>> -> memref<!tpu.dma_semaphore, #tpu.memory_space<semaphore_mem>>
    %dma_wait3A_389 = arith.constant 0 : i32
    %dma_wait3A_390 = arith.constant 0 : i32
    %dma_wait3A_391 = tpu.memref_slice %arg4[%add3A_376, %dma_wait3A_389, %dma_wait3A_390] : memref<8192x8x128xf32, #tpu.memory_space<hbm>> -> memref<32x8x128xf32, #tpu.memory_space<hbm>>
    %dma_wait3A_392 = arith.constant 0 : i32
    %dma_wait3A_393 = arith.constant 0 : i32
    %dma_wait3A_394 = arith.constant 0 : i32
    %dma_wait3A_395 = tpu.memref_slice %arg6[%dma_wait3A_377, %dma_wait3A_392, %dma_wait3A_393, %dma_wait3A_394] : memref<3x32x8x128xf32, #tpu.memory_space<vmem>> -> memref<1x32x8x128xf32, #tpu.memory_space<vmem>>
    %dma_wait3A_396 = tpu.memref_squeeze %dma_wait3A_395 : memref<1x32x8x128xf32, #tpu.memory_space<vmem>> -> memref<32x8x128xf32, #tpu.memory_space<vmem>>
    tpu.wait_dma2 semaphore(%dma_wait3A_388 : memref<!tpu.dma_semaphore, #tpu.memory_space<semaphore_mem>>) src(%dma_wait3A_396 : memref<32x8x128xf32, #tpu.memory_space<vmem>>) dst(%dma_wait3A_391 : memref<32x8x128xf32, #tpu.memory_space<hbm>>)
    %add3A_397 = arith.constant 192 : i32
    %add3A_398 = arith.addi %mul3A_2, %add3A_397 : i32
    %dma_start3A_399 = arith.constant 0 : i32
    %dma_start3A_400 = arith.constant 0 : i32
    %dma_start3A_401 = arith.constant 0 : i32
    %dma_start3A_402 = arith.constant 0 : i32
    %dma_start3A_403 = arith.constant 0 : i32
    %dma_start3A_404 = tpu.memref_slice %arg6[%dma_start3A_399, %dma_start3A_401, %dma_start3A_402, %dma_start3A_403] : memref<3x32x8x128xf32, #tpu.memory_space<vmem>> -> memref<1x32x8x128xf32, #tpu.memory_space<vmem>>
    %dma_start3A_405 = tpu.memref_squeeze %dma_start3A_404 : memref<1x32x8x128xf32, #tpu.memory_space<vmem>> -> memref<32x8x128xf32, #tpu.memory_space<vmem>>
    %dma_start3A_406 = arith.constant 0 : i32
    %dma_start3A_407 = arith.constant 0 : i32
    %dma_start3A_408 = tpu.memref_slice %arg2[%add3A_398, %dma_start3A_406, %dma_start3A_407] : memref<8192x8x128xf32, #tpu.memory_space<hbm>> -> memref<32x8x128xf32, #tpu.memory_space<hbm>>
    %dma_start3A_409 = tpu.memref_slice %arg7[%dma_start3A_400] : memref<3x!tpu.dma_semaphore, #tpu.memory_space<semaphore_mem>> -> memref<1x!tpu.dma_semaphore, #tpu.memory_space<semaphore_mem>>
    %dma_start3A_410 = tpu.memref_squeeze %dma_start3A_409 : memref<1x!tpu.dma_semaphore, #tpu.memory_space<semaphore_mem>> -> memref<!tpu.dma_semaphore, #tpu.memory_space<semaphore_mem>>
    %dma_start3A_411 = arith.constant 0 : i32
    %dma_start3A_412 = arith.constant 0 : i32
    %dma_start3A_413 = arith.constant 0 : i32
    %dma_start3A_414 = tpu.memref_slice %arg6[%dma_start3A_399, %dma_start3A_411, %dma_start3A_412, %dma_start3A_413] : memref<3x32x8x128xf32, #tpu.memory_space<vmem>> -> memref<1x32x8x128xf32, #tpu.memory_space<vmem>>
    %dma_start3A_415 = tpu.memref_squeeze %dma_start3A_414 : memref<1x32x8x128xf32, #tpu.memory_space<vmem>> -> memref<32x8x128xf32, #tpu.memory_space<vmem>>
    %dma_start3A_416 = arith.constant 0 : i32
    %dma_start3A_417 = arith.constant 0 : i32
    %dma_start3A_418 = tpu.memref_slice %arg2[%add3A_398, %dma_start3A_416, %dma_start3A_417] : memref<8192x8x128xf32, #tpu.memory_space<hbm>> -> memref<32x8x128xf32, #tpu.memory_space<hbm>>
    tpu.enqueue_dma source(%dma_start3A_418 : memref<32x8x128xf32, #tpu.memory_space<hbm>>) target(%dma_start3A_415 : memref<32x8x128xf32, #tpu.memory_space<vmem>>) target_semaphore(%dma_start3A_410 : memref<!tpu.dma_semaphore, #tpu.memory_space<semaphore_mem>>)
    %add3A_419 = arith.constant 128 : i32
    %add3A_420 = arith.addi %mul3A_2, %add3A_419 : i32
    %dma_wait3A_421 = arith.constant 1 : i32
    %dma_wait3A_422 = arith.constant 1 : i32
    %dma_wait3A_423 = arith.constant 0 : i32
    %dma_wait3A_424 = arith.constant 0 : i32
    %dma_wait3A_425 = arith.constant 0 : i32
    %dma_wait3A_426 = tpu.memref_slice %arg6[%dma_wait3A_421, %dma_wait3A_423, %dma_wait3A_424, %dma_wait3A_425] : memref<3x32x8x128xf32, #tpu.memory_space<vmem>> -> memref<1x32x8x128xf32, #tpu.memory_space<vmem>>
    %dma_wait3A_427 = tpu.memref_squeeze %dma_wait3A_426 : memref<1x32x8x128xf32, #tpu.memory_space<vmem>> -> memref<32x8x128xf32, #tpu.memory_space<vmem>>
    %dma_wait3A_428 = arith.constant 0 : i32
    %dma_wait3A_429 = arith.constant 0 : i32
    %dma_wait3A_430 = tpu.memref_slice %arg2[%add3A_420, %dma_wait3A_428, %dma_wait3A_429] : memref<8192x8x128xf32, #tpu.memory_space<hbm>> -> memref<32x8x128xf32, #tpu.memory_space<hbm>>
    %dma_wait3A_431 = tpu.memref_slice %arg7[%dma_wait3A_422] : memref<3x!tpu.dma_semaphore, #tpu.memory_space<semaphore_mem>> -> memref<1x!tpu.dma_semaphore, #tpu.memory_space<semaphore_mem>>
    %dma_wait3A_432 = tpu.memref_squeeze %dma_wait3A_431 : memref<1x!tpu.dma_semaphore, #tpu.memory_space<semaphore_mem>> -> memref<!tpu.dma_semaphore, #tpu.memory_space<semaphore_mem>>
    %dma_wait3A_433 = arith.constant 0 : i32
    %dma_wait3A_434 = arith.constant 0 : i32
    %dma_wait3A_435 = arith.constant 0 : i32
    %dma_wait3A_436 = tpu.memref_slice %arg6[%dma_wait3A_421, %dma_wait3A_433, %dma_wait3A_434, %dma_wait3A_435] : memref<3x32x8x128xf32, #tpu.memory_space<vmem>> -> memref<1x32x8x128xf32, #tpu.memory_space<vmem>>
    %dma_wait3A_437 = tpu.memref_squeeze %dma_wait3A_436 : memref<1x32x8x128xf32, #tpu.memory_space<vmem>> -> memref<32x8x128xf32, #tpu.memory_space<vmem>>
    %dma_wait3A_438 = arith.constant 0 : i32
    %dma_wait3A_439 = arith.constant 0 : i32
    %dma_wait3A_440 = tpu.memref_slice %arg2[%add3A_420, %dma_wait3A_438, %dma_wait3A_439] : memref<8192x8x128xf32, #tpu.memory_space<hbm>> -> memref<32x8x128xf32, #tpu.memory_space<hbm>>
    tpu.wait_dma2 semaphore(%dma_wait3A_432 : memref<!tpu.dma_semaphore, #tpu.memory_space<semaphore_mem>>) src(%dma_wait3A_440 : memref<32x8x128xf32, #tpu.memory_space<hbm>>) dst(%dma_wait3A_437 : memref<32x8x128xf32, #tpu.memory_space<vmem>>)
    %add3A_441 = arith.constant 128 : i32
    %add3A_442 = arith.addi %mul3A_2, %add3A_441 : i32
    %dma_start3A_443 = arith.constant 1 : i32
    %dma_start3A_444 = arith.constant 1 : i32
    %dma_start3A_445 = arith.constant 0 : i32
    %dma_start3A_446 = arith.constant 0 : i32
    %dma_start3A_447 = arith.constant 0 : i32
    %dma_start3A_448 = tpu.memref_slice %arg6[%dma_start3A_443, %dma_start3A_445, %dma_start3A_446, %dma_start3A_447] : memref<3x32x8x128xf32, #tpu.memory_space<vmem>> -> memref<1x32x8x128xf32, #tpu.memory_space<vmem>>
    %dma_start3A_449 = tpu.memref_squeeze %dma_start3A_448 : memref<1x32x8x128xf32, #tpu.memory_space<vmem>> -> memref<32x8x128xf32, #tpu.memory_space<vmem>>
    %dma_start3A_450 = arith.constant 0 : i32
    %dma_start3A_451 = arith.constant 0 : i32
    %dma_start3A_452 = tpu.memref_slice %arg4[%add3A_442, %dma_start3A_450, %dma_start3A_451] : memref<8192x8x128xf32, #tpu.memory_space<hbm>> -> memref<32x8x128xf32, #tpu.memory_space<hbm>>
    %dma_start3A_453 = tpu.memref_slice %arg8[%dma_start3A_444] : memref<3x!tpu.dma_semaphore, #tpu.memory_space<semaphore_mem>> -> memref<1x!tpu.dma_semaphore, #tpu.memory_space<semaphore_mem>>
    %dma_start3A_454 = tpu.memref_squeeze %dma_start3A_453 : memref<1x!tpu.dma_semaphore, #tpu.memory_space<semaphore_mem>> -> memref<!tpu.dma_semaphore, #tpu.memory_space<semaphore_mem>>
    %dma_start3A_455 = arith.constant 0 : i32
    %dma_start3A_456 = arith.constant 0 : i32
    %dma_start3A_457 = tpu.memref_slice %arg4[%add3A_442, %dma_start3A_455, %dma_start3A_456] : memref<8192x8x128xf32, #tpu.memory_space<hbm>> -> memref<32x8x128xf32, #tpu.memory_space<hbm>>
    %dma_start3A_458 = arith.constant 0 : i32
    %dma_start3A_459 = arith.constant 0 : i32
    %dma_start3A_460 = arith.constant 0 : i32
    %dma_start3A_461 = tpu.memref_slice %arg6[%dma_start3A_443, %dma_start3A_458, %dma_start3A_459, %dma_start3A_460] : memref<3x32x8x128xf32, #tpu.memory_space<vmem>> -> memref<1x32x8x128xf32, #tpu.memory_space<vmem>>
    %dma_start3A_462 = tpu.memref_squeeze %dma_start3A_461 : memref<1x32x8x128xf32, #tpu.memory_space<vmem>> -> memref<32x8x128xf32, #tpu.memory_space<vmem>>
    tpu.enqueue_dma source(%dma_start3A_462 : memref<32x8x128xf32, #tpu.memory_space<vmem>>) target(%dma_start3A_457 : memref<32x8x128xf32, #tpu.memory_space<hbm>>) target_semaphore(%dma_start3A_454 : memref<!tpu.dma_semaphore, #tpu.memory_space<semaphore_mem>>)
    %add3A_463 = arith.constant 128 : i32
    %add3A_464 = arith.addi %mul3A_2, %add3A_463 : i32
    %dma_wait3A_465 = arith.constant 1 : i32
    %dma_wait3A_466 = arith.constant 1 : i32
    %dma_wait3A_467 = arith.constant 0 : i32
    %dma_wait3A_468 = arith.constant 0 : i32
    %dma_wait3A_469 = arith.constant 0 : i32
    %dma_wait3A_470 = tpu.memref_slice %arg6[%dma_wait3A_465, %dma_wait3A_467, %dma_wait3A_468, %dma_wait3A_469] : memref<3x32x8x128xf32, #tpu.memory_space<vmem>> -> memref<1x32x8x128xf32, #tpu.memory_space<vmem>>
    %dma_wait3A_471 = tpu.memref_squeeze %dma_wait3A_470 : memref<1x32x8x128xf32, #tpu.memory_space<vmem>> -> memref<32x8x128xf32, #tpu.memory_space<vmem>>
    %dma_wait3A_472 = arith.constant 0 : i32
    %dma_wait3A_473 = arith.constant 0 : i32
    %dma_wait3A_474 = tpu.memref_slice %arg4[%add3A_464, %dma_wait3A_472, %dma_wait3A_473] : memref<8192x8x128xf32, #tpu.memory_space<hbm>> -> memref<32x8x128xf32, #tpu.memory_space<hbm>>
    %dma_wait3A_475 = tpu.memref_slice %arg8[%dma_wait3A_466] : memref<3x!tpu.dma_semaphore, #tpu.memory_space<semaphore_mem>> -> memref<1x!tpu.dma_semaphore, #tpu.memory_space<semaphore_mem>>
    %dma_wait3A_476 = tpu.memref_squeeze %dma_wait3A_475 : memref<1x!tpu.dma_semaphore, #tpu.memory_space<semaphore_mem>> -> memref<!tpu.dma_semaphore, #tpu.memory_space<semaphore_mem>>
    %dma_wait3A_477 = arith.constant 0 : i32
    %dma_wait3A_478 = arith.constant 0 : i32
    %dma_wait3A_479 = tpu.memref_slice %arg4[%add3A_464, %dma_wait3A_477, %dma_wait3A_478] : memref<8192x8x128xf32, #tpu.memory_space<hbm>> -> memref<32x8x128xf32, #tpu.memory_space<hbm>>
    %dma_wait3A_480 = arith.constant 0 : i32
    %dma_wait3A_481 = arith.constant 0 : i32
    %dma_wait3A_482 = arith.constant 0 : i32
    %dma_wait3A_483 = tpu.memref_slice %arg6[%dma_wait3A_465, %dma_wait3A_480, %dma_wait3A_481, %dma_wait3A_482] : memref<3x32x8x128xf32, #tpu.memory_space<vmem>> -> memref<1x32x8x128xf32, #tpu.memory_space<vmem>>
    %dma_wait3A_484 = tpu.memref_squeeze %dma_wait3A_483 : memref<1x32x8x128xf32, #tpu.memory_space<vmem>> -> memref<32x8x128xf32, #tpu.memory_space<vmem>>
    tpu.wait_dma2 semaphore(%dma_wait3A_476 : memref<!tpu.dma_semaphore, #tpu.memory_space<semaphore_mem>>) src(%dma_wait3A_484 : memref<32x8x128xf32, #tpu.memory_space<vmem>>) dst(%dma_wait3A_479 : memref<32x8x128xf32, #tpu.memory_space<hbm>>)
    %add3A_485 = arith.constant 224 : i32
    %add3A_486 = arith.addi %mul3A_2, %add3A_485 : i32
    %dma_start3A_487 = arith.constant 1 : i32
    %dma_start3A_488 = arith.constant 1 : i32
    %dma_start3A_489 = arith.constant 0 : i32
    %dma_start3A_490 = arith.constant 0 : i32
    %dma_start3A_491 = arith.constant 0 : i32
    %dma_start3A_492 = tpu.memref_slice %arg6[%dma_start3A_487, %dma_start3A_489, %dma_start3A_490, %dma_start3A_491] : memref<3x32x8x128xf32, #tpu.memory_space<vmem>> -> memref<1x32x8x128xf32, #tpu.memory_space<vmem>>
    %dma_start3A_493 = tpu.memref_squeeze %dma_start3A_492 : memref<1x32x8x128xf32, #tpu.memory_space<vmem>> -> memref<32x8x128xf32, #tpu.memory_space<vmem>>
    %dma_start3A_494 = arith.constant 0 : i32
    %dma_start3A_495 = arith.constant 0 : i32
    %dma_start3A_496 = tpu.memref_slice %arg2[%add3A_486, %dma_start3A_494, %dma_start3A_495] : memref<8192x8x128xf32, #tpu.memory_space<hbm>> -> memref<32x8x128xf32, #tpu.memory_space<hbm>>
    %dma_start3A_497 = tpu.memref_slice %arg7[%dma_start3A_488] : memref<3x!tpu.dma_semaphore, #tpu.memory_space<semaphore_mem>> -> memref<1x!tpu.dma_semaphore, #tpu.memory_space<semaphore_mem>>
    %dma_start3A_498 = tpu.memref_squeeze %dma_start3A_497 : memref<1x!tpu.dma_semaphore, #tpu.memory_space<semaphore_mem>> -> memref<!tpu.dma_semaphore, #tpu.memory_space<semaphore_mem>>
    %dma_start3A_499 = arith.constant 0 : i32
    %dma_start3A_500 = arith.constant 0 : i32
    %dma_start3A_501 = arith.constant 0 : i32
    %dma_start3A_502 = tpu.memref_slice %arg6[%dma_start3A_487, %dma_start3A_499, %dma_start3A_500, %dma_start3A_501] : memref<3x32x8x128xf32, #tpu.memory_space<vmem>> -> memref<1x32x8x128xf32, #tpu.memory_space<vmem>>
    %dma_start3A_503 = tpu.memref_squeeze %dma_start3A_502 : memref<1x32x8x128xf32, #tpu.memory_space<vmem>> -> memref<32x8x128xf32, #tpu.memory_space<vmem>>
    %dma_start3A_504 = arith.constant 0 : i32
    %dma_start3A_505 = arith.constant 0 : i32
    %dma_start3A_506 = tpu.memref_slice %arg2[%add3A_486, %dma_start3A_504, %dma_start3A_505] : memref<8192x8x128xf32, #tpu.memory_space<hbm>> -> memref<32x8x128xf32, #tpu.memory_space<hbm>>
    tpu.enqueue_dma source(%dma_start3A_506 : memref<32x8x128xf32, #tpu.memory_space<hbm>>) target(%dma_start3A_503 : memref<32x8x128xf32, #tpu.memory_space<vmem>>) target_semaphore(%dma_start3A_498 : memref<!tpu.dma_semaphore, #tpu.memory_space<semaphore_mem>>)
    %add3A_507 = arith.constant 160 : i32
    %add3A_508 = arith.addi %mul3A_2, %add3A_507 : i32
    %dma_wait3A_509 = arith.constant 2 : i32
    %dma_wait3A_510 = arith.constant 2 : i32
    %dma_wait3A_511 = arith.constant 0 : i32
    %dma_wait3A_512 = arith.constant 0 : i32
    %dma_wait3A_513 = arith.constant 0 : i32
    %dma_wait3A_514 = tpu.memref_slice %arg6[%dma_wait3A_509, %dma_wait3A_511, %dma_wait3A_512, %dma_wait3A_513] : memref<3x32x8x128xf32, #tpu.memory_space<vmem>> -> memref<1x32x8x128xf32, #tpu.memory_space<vmem>>
    %dma_wait3A_515 = tpu.memref_squeeze %dma_wait3A_514 : memref<1x32x8x128xf32, #tpu.memory_space<vmem>> -> memref<32x8x128xf32, #tpu.memory_space<vmem>>
    %dma_wait3A_516 = arith.constant 0 : i32
    %dma_wait3A_517 = arith.constant 0 : i32
    %dma_wait3A_518 = tpu.memref_slice %arg2[%add3A_508, %dma_wait3A_516, %dma_wait3A_517] : memref<8192x8x128xf32, #tpu.memory_space<hbm>> -> memref<32x8x128xf32, #tpu.memory_space<hbm>>
    %dma_wait3A_519 = tpu.memref_slice %arg7[%dma_wait3A_510] : memref<3x!tpu.dma_semaphore, #tpu.memory_space<semaphore_mem>> -> memref<1x!tpu.dma_semaphore, #tpu.memory_space<semaphore_mem>>
    %dma_wait3A_520 = tpu.memref_squeeze %dma_wait3A_519 : memref<1x!tpu.dma_semaphore, #tpu.memory_space<semaphore_mem>> -> memref<!tpu.dma_semaphore, #tpu.memory_space<semaphore_mem>>
    %dma_wait3A_521 = arith.constant 0 : i32
    %dma_wait3A_522 = arith.constant 0 : i32
    %dma_wait3A_523 = arith.constant 0 : i32
    %dma_wait3A_524 = tpu.memref_slice %arg6[%dma_wait3A_509, %dma_wait3A_521, %dma_wait3A_522, %dma_wait3A_523] : memref<3x32x8x128xf32, #tpu.memory_space<vmem>> -> memref<1x32x8x128xf32, #tpu.memory_space<vmem>>
    %dma_wait3A_525 = tpu.memref_squeeze %dma_wait3A_524 : memref<1x32x8x128xf32, #tpu.memory_space<vmem>> -> memref<32x8x128xf32, #tpu.memory_space<vmem>>
    %dma_wait3A_526 = arith.constant 0 : i32
    %dma_wait3A_527 = arith.constant 0 : i32
    %dma_wait3A_528 = tpu.memref_slice %arg2[%add3A_508, %dma_wait3A_526, %dma_wait3A_527] : memref<8192x8x128xf32, #tpu.memory_space<hbm>> -> memref<32x8x128xf32, #tpu.memory_space<hbm>>
    tpu.wait_dma2 semaphore(%dma_wait3A_520 : memref<!tpu.dma_semaphore, #tpu.memory_space<semaphore_mem>>) src(%dma_wait3A_528 : memref<32x8x128xf32, #tpu.memory_space<hbm>>) dst(%dma_wait3A_525 : memref<32x8x128xf32, #tpu.memory_space<vmem>>)
    %add3A_529 = arith.constant 160 : i32
    %add3A_530 = arith.addi %mul3A_2, %add3A_529 : i32
    %dma_start3A_531 = arith.constant 2 : i32
    %dma_start3A_532 = arith.constant 2 : i32
    %dma_start3A_533 = arith.constant 0 : i32
    %dma_start3A_534 = arith.constant 0 : i32
    %dma_start3A_535 = arith.constant 0 : i32
    %dma_start3A_536 = tpu.memref_slice %arg6[%dma_start3A_531, %dma_start3A_533, %dma_start3A_534, %dma_start3A_535] : memref<3x32x8x128xf32, #tpu.memory_space<vmem>> -> memref<1x32x8x128xf32, #tpu.memory_space<vmem>>
    %dma_start3A_537 = tpu.memref_squeeze %dma_start3A_536 : memref<1x32x8x128xf32, #tpu.memory_space<vmem>> -> memref<32x8x128xf32, #tpu.memory_space<vmem>>
    %dma_start3A_538 = arith.constant 0 : i32
    %dma_start3A_539 = arith.constant 0 : i32
    %dma_start3A_540 = tpu.memref_slice %arg4[%add3A_530, %dma_start3A_538, %dma_start3A_539] : memref<8192x8x128xf32, #tpu.memory_space<hbm>> -> memref<32x8x128xf32, #tpu.memory_space<hbm>>
    %dma_start3A_541 = tpu.memref_slice %arg8[%dma_start3A_532] : memref<3x!tpu.dma_semaphore, #tpu.memory_space<semaphore_mem>> -> memref<1x!tpu.dma_semaphore, #tpu.memory_space<semaphore_mem>>
    %dma_start3A_542 = tpu.memref_squeeze %dma_start3A_541 : memref<1x!tpu.dma_semaphore, #tpu.memory_space<semaphore_mem>> -> memref<!tpu.dma_semaphore, #tpu.memory_space<semaphore_mem>>
    %dma_start3A_543 = arith.constant 0 : i32
    %dma_start3A_544 = arith.constant 0 : i32
    %dma_start3A_545 = tpu.memref_slice %arg4[%add3A_530, %dma_start3A_543, %dma_start3A_544] : memref<8192x8x128xf32, #tpu.memory_space<hbm>> -> memref<32x8x128xf32, #tpu.memory_space<hbm>>
    %dma_start3A_546 = arith.constant 0 : i32
    %dma_start3A_547 = arith.constant 0 : i32
    %dma_start3A_548 = arith.constant 0 : i32
    %dma_start3A_549 = tpu.memref_slice %arg6[%dma_start3A_531, %dma_start3A_546, %dma_start3A_547, %dma_start3A_548] : memref<3x32x8x128xf32, #tpu.memory_space<vmem>> -> memref<1x32x8x128xf32, #tpu.memory_space<vmem>>
    %dma_start3A_550 = tpu.memref_squeeze %dma_start3A_549 : memref<1x32x8x128xf32, #tpu.memory_space<vmem>> -> memref<32x8x128xf32, #tpu.memory_space<vmem>>
    tpu.enqueue_dma source(%dma_start3A_550 : memref<32x8x128xf32, #tpu.memory_space<vmem>>) target(%dma_start3A_545 : memref<32x8x128xf32, #tpu.memory_space<hbm>>) target_semaphore(%dma_start3A_542 : memref<!tpu.dma_semaphore, #tpu.memory_space<semaphore_mem>>)
    %add3A_551 = arith.constant 160 : i32
    %add3A_552 = arith.addi %mul3A_2, %add3A_551 : i32
    %dma_wait3A_553 = arith.constant 2 : i32
    %dma_wait3A_554 = arith.constant 2 : i32
    %dma_wait3A_555 = arith.constant 0 : i32
    %dma_wait3A_556 = arith.constant 0 : i32
    %dma_wait3A_557 = arith.constant 0 : i32
    %dma_wait3A_558 = tpu.memref_slice %arg6[%dma_wait3A_553, %dma_wait3A_555, %dma_wait3A_556, %dma_wait3A_557] : memref<3x32x8x128xf32, #tpu.memory_space<vmem>> -> memref<1x32x8x128xf32, #tpu.memory_space<vmem>>
    %dma_wait3A_559 = tpu.memref_squeeze %dma_wait3A_558 : memref<1x32x8x128xf32, #tpu.memory_space<vmem>> -> memref<32x8x128xf32, #tpu.memory_space<vmem>>
    %dma_wait3A_560 = arith.constant 0 : i32
    %dma_wait3A_561 = arith.constant 0 : i32
    %dma_wait3A_562 = tpu.memref_slice %arg4[%add3A_552, %dma_wait3A_560, %dma_wait3A_561] : memref<8192x8x128xf32, #tpu.memory_space<hbm>> -> memref<32x8x128xf32, #tpu.memory_space<hbm>>
    %dma_wait3A_563 = tpu.memref_slice %arg8[%dma_wait3A_554] : memref<3x!tpu.dma_semaphore, #tpu.memory_space<semaphore_mem>> -> memref<1x!tpu.dma_semaphore, #tpu.memory_space<semaphore_mem>>
    %dma_wait3A_564 = tpu.memref_squeeze %dma_wait3A_563 : memref<1x!tpu.dma_semaphore, #tpu.memory_space<semaphore_mem>> -> memref<!tpu.dma_semaphore, #tpu.memory_space<semaphore_mem>>
    %dma_wait3A_565 = arith.constant 0 : i32
    %dma_wait3A_566 = arith.constant 0 : i32
    %dma_wait3A_567 = tpu.memref_slice %arg4[%add3A_552, %dma_wait3A_565, %dma_wait3A_566] : memref<8192x8x128xf32, #tpu.memory_space<hbm>> -> memref<32x8x128xf32, #tpu.memory_space<hbm>>
    %dma_wait3A_568 = arith.constant 0 : i32
    %dma_wait3A_569 = arith.constant 0 : i32
    %dma_wait3A_570 = arith.constant 0 : i32
    %dma_wait3A_571 = tpu.memref_slice %arg6[%dma_wait3A_553, %dma_wait3A_568, %dma_wait3A_569, %dma_wait3A_570] : memref<3x32x8x128xf32, #tpu.memory_space<vmem>> -> memref<1x32x8x128xf32, #tpu.memory_space<vmem>>
    %dma_wait3A_572 = tpu.memref_squeeze %dma_wait3A_571 : memref<1x32x8x128xf32, #tpu.memory_space<vmem>> -> memref<32x8x128xf32, #tpu.memory_space<vmem>>
    tpu.wait_dma2 semaphore(%dma_wait3A_564 : memref<!tpu.dma_semaphore, #tpu.memory_space<semaphore_mem>>) src(%dma_wait3A_572 : memref<32x8x128xf32, #tpu.memory_space<vmem>>) dst(%dma_wait3A_567 : memref<32x8x128xf32, #tpu.memory_space<hbm>>)
    %add3A_573 = arith.constant 0 : i32
    %add3A_574 = arith.addi %mul3A_2, %add3A_573 : i32
    %dma_start3A_575 = arith.constant 2 : i32
    %dma_start3A_576 = arith.constant 2 : i32
    %dma_start3A_577 = arith.constant 0 : i32
    %dma_start3A_578 = arith.constant 0 : i32
    %dma_start3A_579 = arith.constant 0 : i32
    %dma_start3A_580 = tpu.memref_slice %arg6[%dma_start3A_575, %dma_start3A_577, %dma_start3A_578, %dma_start3A_579] : memref<3x32x8x128xf32, #tpu.memory_space<vmem>> -> memref<1x32x8x128xf32, #tpu.memory_space<vmem>>
    %dma_start3A_581 = tpu.memref_squeeze %dma_start3A_580 : memref<1x32x8x128xf32, #tpu.memory_space<vmem>> -> memref<32x8x128xf32, #tpu.memory_space<vmem>>
    %dma_start3A_582 = arith.constant 0 : i32
    %dma_start3A_583 = arith.constant 0 : i32
    %dma_start3A_584 = tpu.memref_slice %arg3[%add3A_574, %dma_start3A_582, %dma_start3A_583] : memref<8192x8x128xf32, #tpu.memory_space<hbm>> -> memref<32x8x128xf32, #tpu.memory_space<hbm>>
    %dma_start3A_585 = tpu.memref_slice %arg7[%dma_start3A_576] : memref<3x!tpu.dma_semaphore, #tpu.memory_space<semaphore_mem>> -> memref<1x!tpu.dma_semaphore, #tpu.memory_space<semaphore_mem>>
    %dma_start3A_586 = tpu.memref_squeeze %dma_start3A_585 : memref<1x!tpu.dma_semaphore, #tpu.memory_space<semaphore_mem>> -> memref<!tpu.dma_semaphore, #tpu.memory_space<semaphore_mem>>
    %dma_start3A_587 = arith.constant 0 : i32
    %dma_start3A_588 = arith.constant 0 : i32
    %dma_start3A_589 = arith.constant 0 : i32
    %dma_start3A_590 = tpu.memref_slice %arg6[%dma_start3A_575, %dma_start3A_587, %dma_start3A_588, %dma_start3A_589] : memref<3x32x8x128xf32, #tpu.memory_space<vmem>> -> memref<1x32x8x128xf32, #tpu.memory_space<vmem>>
    %dma_start3A_591 = tpu.memref_squeeze %dma_start3A_590 : memref<1x32x8x128xf32, #tpu.memory_space<vmem>> -> memref<32x8x128xf32, #tpu.memory_space<vmem>>
    %dma_start3A_592 = arith.constant 0 : i32
    %dma_start3A_593 = arith.constant 0 : i32
    %dma_start3A_594 = tpu.memref_slice %arg3[%add3A_574, %dma_start3A_592, %dma_start3A_593] : memref<8192x8x128xf32, #tpu.memory_space<hbm>> -> memref<32x8x128xf32, #tpu.memory_space<hbm>>
    tpu.enqueue_dma source(%dma_start3A_594 : memref<32x8x128xf32, #tpu.memory_space<hbm>>) target(%dma_start3A_591 : memref<32x8x128xf32, #tpu.memory_space<vmem>>) target_semaphore(%dma_start3A_586 : memref<!tpu.dma_semaphore, #tpu.memory_space<semaphore_mem>>)
    %add3A_595 = arith.constant 192 : i32
    %add3A_596 = arith.addi %mul3A_2, %add3A_595 : i32
    %dma_wait3A_597 = arith.constant 0 : i32
    %dma_wait3A_598 = arith.constant 0 : i32
    %dma_wait3A_599 = arith.constant 0 : i32
    %dma_wait3A_600 = arith.constant 0 : i32
    %dma_wait3A_601 = arith.constant 0 : i32
    %dma_wait3A_602 = tpu.memref_slice %arg6[%dma_wait3A_597, %dma_wait3A_599, %dma_wait3A_600, %dma_wait3A_601] : memref<3x32x8x128xf32, #tpu.memory_space<vmem>> -> memref<1x32x8x128xf32, #tpu.memory_space<vmem>>
    %dma_wait3A_603 = tpu.memref_squeeze %dma_wait3A_602 : memref<1x32x8x128xf32, #tpu.memory_space<vmem>> -> memref<32x8x128xf32, #tpu.memory_space<vmem>>
    %dma_wait3A_604 = arith.constant 0 : i32
    %dma_wait3A_605 = arith.constant 0 : i32
    %dma_wait3A_606 = tpu.memref_slice %arg2[%add3A_596, %dma_wait3A_604, %dma_wait3A_605] : memref<8192x8x128xf32, #tpu.memory_space<hbm>> -> memref<32x8x128xf32, #tpu.memory_space<hbm>>
    %dma_wait3A_607 = tpu.memref_slice %arg7[%dma_wait3A_598] : memref<3x!tpu.dma_semaphore, #tpu.memory_space<semaphore_mem>> -> memref<1x!tpu.dma_semaphore, #tpu.memory_space<semaphore_mem>>
    %dma_wait3A_608 = tpu.memref_squeeze %dma_wait3A_607 : memref<1x!tpu.dma_semaphore, #tpu.memory_space<semaphore_mem>> -> memref<!tpu.dma_semaphore, #tpu.memory_space<semaphore_mem>>
    %dma_wait3A_609 = arith.constant 0 : i32
    %dma_wait3A_610 = arith.constant 0 : i32
    %dma_wait3A_611 = arith.constant 0 : i32
    %dma_wait3A_612 = tpu.memref_slice %arg6[%dma_wait3A_597, %dma_wait3A_609, %dma_wait3A_610, %dma_wait3A_611] : memref<3x32x8x128xf32, #tpu.memory_space<vmem>> -> memref<1x32x8x128xf32, #tpu.memory_space<vmem>>
    %dma_wait3A_613 = tpu.memref_squeeze %dma_wait3A_612 : memref<1x32x8x128xf32, #tpu.memory_space<vmem>> -> memref<32x8x128xf32, #tpu.memory_space<vmem>>
    %dma_wait3A_614 = arith.constant 0 : i32
    %dma_wait3A_615 = arith.constant 0 : i32
    %dma_wait3A_616 = tpu.memref_slice %arg2[%add3A_596, %dma_wait3A_614, %dma_wait3A_615] : memref<8192x8x128xf32, #tpu.memory_space<hbm>> -> memref<32x8x128xf32, #tpu.memory_space<hbm>>
    tpu.wait_dma2 semaphore(%dma_wait3A_608 : memref<!tpu.dma_semaphore, #tpu.memory_space<semaphore_mem>>) src(%dma_wait3A_616 : memref<32x8x128xf32, #tpu.memory_space<hbm>>) dst(%dma_wait3A_613 : memref<32x8x128xf32, #tpu.memory_space<vmem>>)
    %add3A_617 = arith.constant 192 : i32
    %add3A_618 = arith.addi %mul3A_2, %add3A_617 : i32
    %dma_start3A_619 = arith.constant 0 : i32
    %dma_start3A_620 = arith.constant 0 : i32
    %dma_start3A_621 = arith.constant 0 : i32
    %dma_start3A_622 = arith.constant 0 : i32
    %dma_start3A_623 = arith.constant 0 : i32
    %dma_start3A_624 = tpu.memref_slice %arg6[%dma_start3A_619, %dma_start3A_621, %dma_start3A_622, %dma_start3A_623] : memref<3x32x8x128xf32, #tpu.memory_space<vmem>> -> memref<1x32x8x128xf32, #tpu.memory_space<vmem>>
    %dma_start3A_625 = tpu.memref_squeeze %dma_start3A_624 : memref<1x32x8x128xf32, #tpu.memory_space<vmem>> -> memref<32x8x128xf32, #tpu.memory_space<vmem>>
    %dma_start3A_626 = arith.constant 0 : i32
    %dma_start3A_627 = arith.constant 0 : i32
    %dma_start3A_628 = tpu.memref_slice %arg4[%add3A_618, %dma_start3A_626, %dma_start3A_627] : memref<8192x8x128xf32, #tpu.memory_space<hbm>> -> memref<32x8x128xf32, #tpu.memory_space<hbm>>
    %dma_start3A_629 = tpu.memref_slice %arg8[%dma_start3A_620] : memref<3x!tpu.dma_semaphore, #tpu.memory_space<semaphore_mem>> -> memref<1x!tpu.dma_semaphore, #tpu.memory_space<semaphore_mem>>
    %dma_start3A_630 = tpu.memref_squeeze %dma_start3A_629 : memref<1x!tpu.dma_semaphore, #tpu.memory_space<semaphore_mem>> -> memref<!tpu.dma_semaphore, #tpu.memory_space<semaphore_mem>>
    %dma_start3A_631 = arith.constant 0 : i32
    %dma_start3A_632 = arith.constant 0 : i32
    %dma_start3A_633 = tpu.memref_slice %arg4[%add3A_618, %dma_start3A_631, %dma_start3A_632] : memref<8192x8x128xf32, #tpu.memory_space<hbm>> -> memref<32x8x128xf32, #tpu.memory_space<hbm>>
    %dma_start3A_634 = arith.constant 0 : i32
    %dma_start3A_635 = arith.constant 0 : i32
    %dma_start3A_636 = arith.constant 0 : i32
    %dma_start3A_637 = tpu.memref_slice %arg6[%dma_start3A_619, %dma_start3A_634, %dma_start3A_635, %dma_start3A_636] : memref<3x32x8x128xf32, #tpu.memory_space<vmem>> -> memref<1x32x8x128xf32, #tpu.memory_space<vmem>>
    %dma_start3A_638 = tpu.memref_squeeze %dma_start3A_637 : memref<1x32x8x128xf32, #tpu.memory_space<vmem>> -> memref<32x8x128xf32, #tpu.memory_space<vmem>>
    tpu.enqueue_dma source(%dma_start3A_638 : memref<32x8x128xf32, #tpu.memory_space<vmem>>) target(%dma_start3A_633 : memref<32x8x128xf32, #tpu.memory_space<hbm>>) target_semaphore(%dma_start3A_630 : memref<!tpu.dma_semaphore, #tpu.memory_space<semaphore_mem>>)
    %add3A_639 = arith.constant 192 : i32
    %add3A_640 = arith.addi %mul3A_2, %add3A_639 : i32
    %dma_wait3A_641 = arith.constant 0 : i32
    %dma_wait3A_642 = arith.constant 0 : i32
    %dma_wait3A_643 = arith.constant 0 : i32
    %dma_wait3A_644 = arith.constant 0 : i32
    %dma_wait3A_645 = arith.constant 0 : i32
    %dma_wait3A_646 = tpu.memref_slice %arg6[%dma_wait3A_641, %dma_wait3A_643, %dma_wait3A_644, %dma_wait3A_645] : memref<3x32x8x128xf32, #tpu.memory_space<vmem>> -> memref<1x32x8x128xf32, #tpu.memory_space<vmem>>
    %dma_wait3A_647 = tpu.memref_squeeze %dma_wait3A_646 : memref<1x32x8x128xf32, #tpu.memory_space<vmem>> -> memref<32x8x128xf32, #tpu.memory_space<vmem>>
    %dma_wait3A_648 = arith.constant 0 : i32
    %dma_wait3A_649 = arith.constant 0 : i32
    %dma_wait3A_650 = tpu.memref_slice %arg4[%add3A_640, %dma_wait3A_648, %dma_wait3A_649] : memref<8192x8x128xf32, #tpu.memory_space<hbm>> -> memref<32x8x128xf32, #tpu.memory_space<hbm>>
    %dma_wait3A_651 = tpu.memref_slice %arg8[%dma_wait3A_642] : memref<3x!tpu.dma_semaphore, #tpu.memory_space<semaphore_mem>> -> memref<1x!tpu.dma_semaphore, #tpu.memory_space<semaphore_mem>>
    %dma_wait3A_652 = tpu.memref_squeeze %dma_wait3A_651 : memref<1x!tpu.dma_semaphore, #tpu.memory_space<semaphore_mem>> -> memref<!tpu.dma_semaphore, #tpu.memory_space<semaphore_mem>>
    %dma_wait3A_653 = arith.constant 0 : i32
    %dma_wait3A_654 = arith.constant 0 : i32
    %dma_wait3A_655 = tpu.memref_slice %arg4[%add3A_640, %dma_wait3A_653, %dma_wait3A_654] : memref<8192x8x128xf32, #tpu.memory_space<hbm>> -> memref<32x8x128xf32, #tpu.memory_space<hbm>>
    %dma_wait3A_656 = arith.constant 0 : i32
    %dma_wait3A_657 = arith.constant 0 : i32
    %dma_wait3A_658 = arith.constant 0 : i32
    %dma_wait3A_659 = tpu.memref_slice %arg6[%dma_wait3A_641, %dma_wait3A_656, %dma_wait3A_657, %dma_wait3A_658] : memref<3x32x8x128xf32, #tpu.memory_space<vmem>> -> memref<1x32x8x128xf32, #tpu.memory_space<vmem>>
    %dma_wait3A_660 = tpu.memref_squeeze %dma_wait3A_659 : memref<1x32x8x128xf32, #tpu.memory_space<vmem>> -> memref<32x8x128xf32, #tpu.memory_space<vmem>>
    tpu.wait_dma2 semaphore(%dma_wait3A_652 : memref<!tpu.dma_semaphore, #tpu.memory_space<semaphore_mem>>) src(%dma_wait3A_660 : memref<32x8x128xf32, #tpu.memory_space<vmem>>) dst(%dma_wait3A_655 : memref<32x8x128xf32, #tpu.memory_space<hbm>>)
    %add3A_661 = arith.constant 32 : i32
    %add3A_662 = arith.addi %mul3A_2, %add3A_661 : i32
    %dma_start3A_663 = arith.constant 0 : i32
    %dma_start3A_664 = arith.constant 0 : i32
    %dma_start3A_665 = arith.constant 0 : i32
    %dma_start3A_666 = arith.constant 0 : i32
    %dma_start3A_667 = arith.constant 0 : i32
    %dma_start3A_668 = tpu.memref_slice %arg6[%dma_start3A_663, %dma_start3A_665, %dma_start3A_666, %dma_start3A_667] : memref<3x32x8x128xf32, #tpu.memory_space<vmem>> -> memref<1x32x8x128xf32, #tpu.memory_space<vmem>>
    %dma_start3A_669 = tpu.memref_squeeze %dma_start3A_668 : memref<1x32x8x128xf32, #tpu.memory_space<vmem>> -> memref<32x8x128xf32, #tpu.memory_space<vmem>>
    %dma_start3A_670 = arith.constant 0 : i32
    %dma_start3A_671 = arith.constant 0 : i32
    %dma_start3A_672 = tpu.memref_slice %arg3[%add3A_662, %dma_start3A_670, %dma_start3A_671] : memref<8192x8x128xf32, #tpu.memory_space<hbm>> -> memref<32x8x128xf32, #tpu.memory_space<hbm>>
    %dma_start3A_673 = tpu.memref_slice %arg7[%dma_start3A_664] : memref<3x!tpu.dma_semaphore, #tpu.memory_space<semaphore_mem>> -> memref<1x!tpu.dma_semaphore, #tpu.memory_space<semaphore_mem>>
    %dma_start3A_674 = tpu.memref_squeeze %dma_start3A_673 : memref<1x!tpu.dma_semaphore, #tpu.memory_space<semaphore_mem>> -> memref<!tpu.dma_semaphore, #tpu.memory_space<semaphore_mem>>
    %dma_start3A_675 = arith.constant 0 : i32
    %dma_start3A_676 = arith.constant 0 : i32
    %dma_start3A_677 = arith.constant 0 : i32
    %dma_start3A_678 = tpu.memref_slice %arg6[%dma_start3A_663, %dma_start3A_675, %dma_start3A_676, %dma_start3A_677] : memref<3x32x8x128xf32, #tpu.memory_space<vmem>> -> memref<1x32x8x128xf32, #tpu.memory_space<vmem>>
    %dma_start3A_679 = tpu.memref_squeeze %dma_start3A_678 : memref<1x32x8x128xf32, #tpu.memory_space<vmem>> -> memref<32x8x128xf32, #tpu.memory_space<vmem>>
    %dma_start3A_680 = arith.constant 0 : i32
    %dma_start3A_681 = arith.constant 0 : i32
    %dma_start3A_682 = tpu.memref_slice %arg3[%add3A_662, %dma_start3A_680, %dma_start3A_681] : memref<8192x8x128xf32, #tpu.memory_space<hbm>> -> memref<32x8x128xf32, #tpu.memory_space<hbm>>
    tpu.enqueue_dma source(%dma_start3A_682 : memref<32x8x128xf32, #tpu.memory_space<hbm>>) target(%dma_start3A_679 : memref<32x8x128xf32, #tpu.memory_space<vmem>>) target_semaphore(%dma_start3A_674 : memref<!tpu.dma_semaphore, #tpu.memory_space<semaphore_mem>>)
    %add3A_683 = arith.constant 224 : i32
    %add3A_684 = arith.addi %mul3A_2, %add3A_683 : i32
    %dma_wait3A_685 = arith.constant 1 : i32
    %dma_wait3A_686 = arith.constant 1 : i32
    %dma_wait3A_687 = arith.constant 0 : i32
    %dma_wait3A_688 = arith.constant 0 : i32
    %dma_wait3A_689 = arith.constant 0 : i32
    %dma_wait3A_690 = tpu.memref_slice %arg6[%dma_wait3A_685, %dma_wait3A_687, %dma_wait3A_688, %dma_wait3A_689] : memref<3x32x8x128xf32, #tpu.memory_space<vmem>> -> memref<1x32x8x128xf32, #tpu.memory_space<vmem>>
    %dma_wait3A_691 = tpu.memref_squeeze %dma_wait3A_690 : memref<1x32x8x128xf32, #tpu.memory_space<vmem>> -> memref<32x8x128xf32, #tpu.memory_space<vmem>>
    %dma_wait3A_692 = arith.constant 0 : i32
    %dma_wait3A_693 = arith.constant 0 : i32
    %dma_wait3A_694 = tpu.memref_slice %arg2[%add3A_684, %dma_wait3A_692, %dma_wait3A_693] : memref<8192x8x128xf32, #tpu.memory_space<hbm>> -> memref<32x8x128xf32, #tpu.memory_space<hbm>>
    %dma_wait3A_695 = tpu.memref_slice %arg7[%dma_wait3A_686] : memref<3x!tpu.dma_semaphore, #tpu.memory_space<semaphore_mem>> -> memref<1x!tpu.dma_semaphore, #tpu.memory_space<semaphore_mem>>
    %dma_wait3A_696 = tpu.memref_squeeze %dma_wait3A_695 : memref<1x!tpu.dma_semaphore, #tpu.memory_space<semaphore_mem>> -> memref<!tpu.dma_semaphore, #tpu.memory_space<semaphore_mem>>
    %dma_wait3A_697 = arith.constant 0 : i32
    %dma_wait3A_698 = arith.constant 0 : i32
    %dma_wait3A_699 = arith.constant 0 : i32
    %dma_wait3A_700 = tpu.memref_slice %arg6[%dma_wait3A_685, %dma_wait3A_697, %dma_wait3A_698, %dma_wait3A_699] : memref<3x32x8x128xf32, #tpu.memory_space<vmem>> -> memref<1x32x8x128xf32, #tpu.memory_space<vmem>>
    %dma_wait3A_701 = tpu.memref_squeeze %dma_wait3A_700 : memref<1x32x8x128xf32, #tpu.memory_space<vmem>> -> memref<32x8x128xf32, #tpu.memory_space<vmem>>
    %dma_wait3A_702 = arith.constant 0 : i32
    %dma_wait3A_703 = arith.constant 0 : i32
    %dma_wait3A_704 = tpu.memref_slice %arg2[%add3A_684, %dma_wait3A_702, %dma_wait3A_703] : memref<8192x8x128xf32, #tpu.memory_space<hbm>> -> memref<32x8x128xf32, #tpu.memory_space<hbm>>
    tpu.wait_dma2 semaphore(%dma_wait3A_696 : memref<!tpu.dma_semaphore, #tpu.memory_space<semaphore_mem>>) src(%dma_wait3A_704 : memref<32x8x128xf32, #tpu.memory_space<hbm>>) dst(%dma_wait3A_701 : memref<32x8x128xf32, #tpu.memory_space<vmem>>)
    %add3A_705 = arith.constant 224 : i32
    %add3A_706 = arith.addi %mul3A_2, %add3A_705 : i32
    %dma_start3A_707 = arith.constant 1 : i32
    %dma_start3A_708 = arith.constant 1 : i32
    %dma_start3A_709 = arith.constant 0 : i32
    %dma_start3A_710 = arith.constant 0 : i32
    %dma_start3A_711 = arith.constant 0 : i32
    %dma_start3A_712 = tpu.memref_slice %arg6[%dma_start3A_707, %dma_start3A_709, %dma_start3A_710, %dma_start3A_711] : memref<3x32x8x128xf32, #tpu.memory_space<vmem>> -> memref<1x32x8x128xf32, #tpu.memory_space<vmem>>
    %dma_start3A_713 = tpu.memref_squeeze %dma_start3A_712 : memref<1x32x8x128xf32, #tpu.memory_space<vmem>> -> memref<32x8x128xf32, #tpu.memory_space<vmem>>
    %dma_start3A_714 = arith.constant 0 : i32
    %dma_start3A_715 = arith.constant 0 : i32
    %dma_start3A_716 = tpu.memref_slice %arg4[%add3A_706, %dma_start3A_714, %dma_start3A_715] : memref<8192x8x128xf32, #tpu.memory_space<hbm>> -> memref<32x8x128xf32, #tpu.memory_space<hbm>>
    %dma_start3A_717 = tpu.memref_slice %arg8[%dma_start3A_708] : memref<3x!tpu.dma_semaphore, #tpu.memory_space<semaphore_mem>> -> memref<1x!tpu.dma_semaphore, #tpu.memory_space<semaphore_mem>>
    %dma_start3A_718 = tpu.memref_squeeze %dma_start3A_717 : memref<1x!tpu.dma_semaphore, #tpu.memory_space<semaphore_mem>> -> memref<!tpu.dma_semaphore, #tpu.memory_space<semaphore_mem>>
    %dma_start3A_719 = arith.constant 0 : i32
    %dma_start3A_720 = arith.constant 0 : i32
    %dma_start3A_721 = tpu.memref_slice %arg4[%add3A_706, %dma_start3A_719, %dma_start3A_720] : memref<8192x8x128xf32, #tpu.memory_space<hbm>> -> memref<32x8x128xf32, #tpu.memory_space<hbm>>
    %dma_start3A_722 = arith.constant 0 : i32
    %dma_start3A_723 = arith.constant 0 : i32
    %dma_start3A_724 = arith.constant 0 : i32
    %dma_start3A_725 = tpu.memref_slice %arg6[%dma_start3A_707, %dma_start3A_722, %dma_start3A_723, %dma_start3A_724] : memref<3x32x8x128xf32, #tpu.memory_space<vmem>> -> memref<1x32x8x128xf32, #tpu.memory_space<vmem>>
    %dma_start3A_726 = tpu.memref_squeeze %dma_start3A_725 : memref<1x32x8x128xf32, #tpu.memory_space<vmem>> -> memref<32x8x128xf32, #tpu.memory_space<vmem>>
    tpu.enqueue_dma source(%dma_start3A_726 : memref<32x8x128xf32, #tpu.memory_space<vmem>>) target(%dma_start3A_721 : memref<32x8x128xf32, #tpu.memory_space<hbm>>) target_semaphore(%dma_start3A_718 : memref<!tpu.dma_semaphore, #tpu.memory_space<semaphore_mem>>)
    %add3A_727 = arith.constant 224 : i32
    %add3A_728 = arith.addi %mul3A_2, %add3A_727 : i32
    %dma_wait3A_729 = arith.constant 1 : i32
    %dma_wait3A_730 = arith.constant 1 : i32
    %dma_wait3A_731 = arith.constant 0 : i32
    %dma_wait3A_732 = arith.constant 0 : i32
    %dma_wait3A_733 = arith.constant 0 : i32
    %dma_wait3A_734 = tpu.memref_slice %arg6[%dma_wait3A_729, %dma_wait3A_731, %dma_wait3A_732, %dma_wait3A_733] : memref<3x32x8x128xf32, #tpu.memory_space<vmem>> -> memref<1x32x8x128xf32, #tpu.memory_space<vmem>>
    %dma_wait3A_735 = tpu.memref_squeeze %dma_wait3A_734 : memref<1x32x8x128xf32, #tpu.memory_space<vmem>> -> memref<32x8x128xf32, #tpu.memory_space<vmem>>
    %dma_wait3A_736 = arith.constant 0 : i32
    %dma_wait3A_737 = arith.constant 0 : i32
    %dma_wait3A_738 = tpu.memref_slice %arg4[%add3A_728, %dma_wait3A_736, %dma_wait3A_737] : memref<8192x8x128xf32, #tpu.memory_space<hbm>> -> memref<32x8x128xf32, #tpu.memory_space<hbm>>
    %dma_wait3A_739 = tpu.memref_slice %arg8[%dma_wait3A_730] : memref<3x!tpu.dma_semaphore, #tpu.memory_space<semaphore_mem>> -> memref<1x!tpu.dma_semaphore, #tpu.memory_space<semaphore_mem>>
    %dma_wait3A_740 = tpu.memref_squeeze %dma_wait3A_739 : memref<1x!tpu.dma_semaphore, #tpu.memory_space<semaphore_mem>> -> memref<!tpu.dma_semaphore, #tpu.memory_space<semaphore_mem>>
    %dma_wait3A_741 = arith.constant 0 : i32
    %dma_wait3A_742 = arith.constant 0 : i32
    %dma_wait3A_743 = tpu.memref_slice %arg4[%add3A_728, %dma_wait3A_741, %dma_wait3A_742] : memref<8192x8x128xf32, #tpu.memory_space<hbm>> -> memref<32x8x128xf32, #tpu.memory_space<hbm>>
    %dma_wait3A_744 = arith.constant 0 : i32
    %dma_wait3A_745 = arith.constant 0 : i32
    %dma_wait3A_746 = arith.constant 0 : i32
    %dma_wait3A_747 = tpu.memref_slice %arg6[%dma_wait3A_729, %dma_wait3A_744, %dma_wait3A_745, %dma_wait3A_746] : memref<3x32x8x128xf32, #tpu.memory_space<vmem>> -> memref<1x32x8x128xf32, #tpu.memory_space<vmem>>
    %dma_wait3A_748 = tpu.memref_squeeze %dma_wait3A_747 : memref<1x32x8x128xf32, #tpu.memory_space<vmem>> -> memref<32x8x128xf32, #tpu.memory_space<vmem>>
    tpu.wait_dma2 semaphore(%dma_wait3A_740 : memref<!tpu.dma_semaphore, #tpu.memory_space<semaphore_mem>>) src(%dma_wait3A_748 : memref<32x8x128xf32, #tpu.memory_space<vmem>>) dst(%dma_wait3A_743 : memref<32x8x128xf32, #tpu.memory_space<hbm>>)
    %add3A_749 = arith.constant 64 : i32
    %add3A_750 = arith.addi %mul3A_2, %add3A_749 : i32
    %dma_start3A_751 = arith.constant 1 : i32
    %dma_start3A_752 = arith.constant 1 : i32
    %dma_start3A_753 = arith.constant 0 : i32
    %dma_start3A_754 = arith.constant 0 : i32
    %dma_start3A_755 = arith.constant 0 : i32
    %dma_start3A_756 = tpu.memref_slice %arg6[%dma_start3A_751, %dma_start3A_753, %dma_start3A_754, %dma_start3A_755] : memref<3x32x8x128xf32, #tpu.memory_space<vmem>> -> memref<1x32x8x128xf32, #tpu.memory_space<vmem>>
    %dma_start3A_757 = tpu.memref_squeeze %dma_start3A_756 : memref<1x32x8x128xf32, #tpu.memory_space<vmem>> -> memref<32x8x128xf32, #tpu.memory_space<vmem>>
    %dma_start3A_758 = arith.constant 0 : i32
    %dma_start3A_759 = arith.constant 0 : i32
    %dma_start3A_760 = tpu.memref_slice %arg3[%add3A_750, %dma_start3A_758, %dma_start3A_759] : memref<8192x8x128xf32, #tpu.memory_space<hbm>> -> memref<32x8x128xf32, #tpu.memory_space<hbm>>
    %dma_start3A_761 = tpu.memref_slice %arg7[%dma_start3A_752] : memref<3x!tpu.dma_semaphore, #tpu.memory_space<semaphore_mem>> -> memref<1x!tpu.dma_semaphore, #tpu.memory_space<semaphore_mem>>
    %dma_start3A_762 = tpu.memref_squeeze %dma_start3A_761 : memref<1x!tpu.dma_semaphore, #tpu.memory_space<semaphore_mem>> -> memref<!tpu.dma_semaphore, #tpu.memory_space<semaphore_mem>>
    %dma_start3A_763 = arith.constant 0 : i32
    %dma_start3A_764 = arith.constant 0 : i32
    %dma_start3A_765 = arith.constant 0 : i32
    %dma_start3A_766 = tpu.memref_slice %arg6[%dma_start3A_751, %dma_start3A_763, %dma_start3A_764, %dma_start3A_765] : memref<3x32x8x128xf32, #tpu.memory_space<vmem>> -> memref<1x32x8x128xf32, #tpu.memory_space<vmem>>
    %dma_start3A_767 = tpu.memref_squeeze %dma_start3A_766 : memref<1x32x8x128xf32, #tpu.memory_space<vmem>> -> memref<32x8x128xf32, #tpu.memory_space<vmem>>
    %dma_start3A_768 = arith.constant 0 : i32
    %dma_start3A_769 = arith.constant 0 : i32
    %dma_start3A_770 = tpu.memref_slice %arg3[%add3A_750, %dma_start3A_768, %dma_start3A_769] : memref<8192x8x128xf32, #tpu.memory_space<hbm>> -> memref<32x8x128xf32, #tpu.memory_space<hbm>>
    tpu.enqueue_dma source(%dma_start3A_770 : memref<32x8x128xf32, #tpu.memory_space<hbm>>) target(%dma_start3A_767 : memref<32x8x128xf32, #tpu.memory_space<vmem>>) target_semaphore(%dma_start3A_762 : memref<!tpu.dma_semaphore, #tpu.memory_space<semaphore_mem>>)
    %add3A_771 = arith.constant 0 : i32
    %add3A_772 = arith.addi %mul3A_2, %add3A_771 : i32
    %dma_wait3A_773 = arith.constant 2 : i32
    %dma_wait3A_774 = arith.constant 2 : i32
    %dma_wait3A_775 = arith.constant 0 : i32
    %dma_wait3A_776 = arith.constant 0 : i32
    %dma_wait3A_777 = arith.constant 0 : i32
    %dma_wait3A_778 = tpu.memref_slice %arg6[%dma_wait3A_773, %dma_wait3A_775, %dma_wait3A_776, %dma_wait3A_777] : memref<3x32x8x128xf32, #tpu.memory_space<vmem>> -> memref<1x32x8x128xf32, #tpu.memory_space<vmem>>
    %dma_wait3A_779 = tpu.memref_squeeze %dma_wait3A_778 : memref<1x32x8x128xf32, #tpu.memory_space<vmem>> -> memref<32x8x128xf32, #tpu.memory_space<vmem>>
    %dma_wait3A_780 = arith.constant 0 : i32
    %dma_wait3A_781 = arith.constant 0 : i32
    %dma_wait3A_782 = tpu.memref_slice %arg3[%add3A_772, %dma_wait3A_780, %dma_wait3A_781] : memref<8192x8x128xf32, #tpu.memory_space<hbm>> -> memref<32x8x128xf32, #tpu.memory_space<hbm>>
    %dma_wait3A_783 = tpu.memref_slice %arg7[%dma_wait3A_774] : memref<3x!tpu.dma_semaphore, #tpu.memory_space<semaphore_mem>> -> memref<1x!tpu.dma_semaphore, #tpu.memory_space<semaphore_mem>>
    %dma_wait3A_784 = tpu.memref_squeeze %dma_wait3A_783 : memref<1x!tpu.dma_semaphore, #tpu.memory_space<semaphore_mem>> -> memref<!tpu.dma_semaphore, #tpu.memory_space<semaphore_mem>>
    %dma_wait3A_785 = arith.constant 0 : i32
    %dma_wait3A_786 = arith.constant 0 : i32
    %dma_wait3A_787 = arith.constant 0 : i32
    %dma_wait3A_788 = tpu.memref_slice %arg6[%dma_wait3A_773, %dma_wait3A_785, %dma_wait3A_786, %dma_wait3A_787] : memref<3x32x8x128xf32, #tpu.memory_space<vmem>> -> memref<1x32x8x128xf32, #tpu.memory_space<vmem>>
    %dma_wait3A_789 = tpu.memref_squeeze %dma_wait3A_788 : memref<1x32x8x128xf32, #tpu.memory_space<vmem>> -> memref<32x8x128xf32, #tpu.memory_space<vmem>>
    %dma_wait3A_790 = arith.constant 0 : i32
    %dma_wait3A_791 = arith.constant 0 : i32
    %dma_wait3A_792 = tpu.memref_slice %arg3[%add3A_772, %dma_wait3A_790, %dma_wait3A_791] : memref<8192x8x128xf32, #tpu.memory_space<hbm>> -> memref<32x8x128xf32, #tpu.memory_space<hbm>>
    tpu.wait_dma2 semaphore(%dma_wait3A_784 : memref<!tpu.dma_semaphore, #tpu.memory_space<semaphore_mem>>) src(%dma_wait3A_792 : memref<32x8x128xf32, #tpu.memory_space<hbm>>) dst(%dma_wait3A_789 : memref<32x8x128xf32, #tpu.memory_space<vmem>>)
    %add3A_793 = arith.constant 0 : i32
    %add3A_794 = arith.addi %mul3A_2, %add3A_793 : i32
    %dma_start3A_795 = arith.constant 2 : i32
    %dma_start3A_796 = arith.constant 2 : i32
    %dma_start3A_797 = arith.constant 0 : i32
    %dma_start3A_798 = arith.constant 0 : i32
    %dma_start3A_799 = arith.constant 0 : i32
    %dma_start3A_800 = tpu.memref_slice %arg6[%dma_start3A_795, %dma_start3A_797, %dma_start3A_798, %dma_start3A_799] : memref<3x32x8x128xf32, #tpu.memory_space<vmem>> -> memref<1x32x8x128xf32, #tpu.memory_space<vmem>>
    %dma_start3A_801 = tpu.memref_squeeze %dma_start3A_800 : memref<1x32x8x128xf32, #tpu.memory_space<vmem>> -> memref<32x8x128xf32, #tpu.memory_space<vmem>>
    %dma_start3A_802 = arith.constant 0 : i32
    %dma_start3A_803 = arith.constant 0 : i32
    %dma_start3A_804 = tpu.memref_slice %arg5[%add3A_794, %dma_start3A_802, %dma_start3A_803] : memref<8192x8x128xf32, #tpu.memory_space<hbm>> -> memref<32x8x128xf32, #tpu.memory_space<hbm>>
    %dma_start3A_805 = tpu.memref_slice %arg8[%dma_start3A_796] : memref<3x!tpu.dma_semaphore, #tpu.memory_space<semaphore_mem>> -> memref<1x!tpu.dma_semaphore, #tpu.memory_space<semaphore_mem>>
    %dma_start3A_806 = tpu.memref_squeeze %dma_start3A_805 : memref<1x!tpu.dma_semaphore, #tpu.memory_space<semaphore_mem>> -> memref<!tpu.dma_semaphore, #tpu.memory_space<semaphore_mem>>
    %dma_start3A_807 = arith.constant 0 : i32
    %dma_start3A_808 = arith.constant 0 : i32
    %dma_start3A_809 = tpu.memref_slice %arg5[%add3A_794, %dma_start3A_807, %dma_start3A_808] : memref<8192x8x128xf32, #tpu.memory_space<hbm>> -> memref<32x8x128xf32, #tpu.memory_space<hbm>>
    %dma_start3A_810 = arith.constant 0 : i32
    %dma_start3A_811 = arith.constant 0 : i32
    %dma_start3A_812 = arith.constant 0 : i32
    %dma_start3A_813 = tpu.memref_slice %arg6[%dma_start3A_795, %dma_start3A_810, %dma_start3A_811, %dma_start3A_812] : memref<3x32x8x128xf32, #tpu.memory_space<vmem>> -> memref<1x32x8x128xf32, #tpu.memory_space<vmem>>
    %dma_start3A_814 = tpu.memref_squeeze %dma_start3A_813 : memref<1x32x8x128xf32, #tpu.memory_space<vmem>> -> memref<32x8x128xf32, #tpu.memory_space<vmem>>
    tpu.enqueue_dma source(%dma_start3A_814 : memref<32x8x128xf32, #tpu.memory_space<vmem>>) target(%dma_start3A_809 : memref<32x8x128xf32, #tpu.memory_space<hbm>>) target_semaphore(%dma_start3A_806 : memref<!tpu.dma_semaphore, #tpu.memory_space<semaphore_mem>>)
    %add3A_815 = arith.constant 0 : i32
    %add3A_816 = arith.addi %mul3A_2, %add3A_815 : i32
    %dma_wait3A_817 = arith.constant 2 : i32
    %dma_wait3A_818 = arith.constant 2 : i32
    %dma_wait3A_819 = arith.constant 0 : i32
    %dma_wait3A_820 = arith.constant 0 : i32
    %dma_wait3A_821 = arith.constant 0 : i32
    %dma_wait3A_822 = tpu.memref_slice %arg6[%dma_wait3A_817, %dma_wait3A_819, %dma_wait3A_820, %dma_wait3A_821] : memref<3x32x8x128xf32, #tpu.memory_space<vmem>> -> memref<1x32x8x128xf32, #tpu.memory_space<vmem>>
    %dma_wait3A_823 = tpu.memref_squeeze %dma_wait3A_822 : memref<1x32x8x128xf32, #tpu.memory_space<vmem>> -> memref<32x8x128xf32, #tpu.memory_space<vmem>>
    %dma_wait3A_824 = arith.constant 0 : i32
    %dma_wait3A_825 = arith.constant 0 : i32
    %dma_wait3A_826 = tpu.memref_slice %arg5[%add3A_816, %dma_wait3A_824, %dma_wait3A_825] : memref<8192x8x128xf32, #tpu.memory_space<hbm>> -> memref<32x8x128xf32, #tpu.memory_space<hbm>>
    %dma_wait3A_827 = tpu.memref_slice %arg8[%dma_wait3A_818] : memref<3x!tpu.dma_semaphore, #tpu.memory_space<semaphore_mem>> -> memref<1x!tpu.dma_semaphore, #tpu.memory_space<semaphore_mem>>
    %dma_wait3A_828 = tpu.memref_squeeze %dma_wait3A_827 : memref<1x!tpu.dma_semaphore, #tpu.memory_space<semaphore_mem>> -> memref<!tpu.dma_semaphore, #tpu.memory_space<semaphore_mem>>
    %dma_wait3A_829 = arith.constant 0 : i32
    %dma_wait3A_830 = arith.constant 0 : i32
    %dma_wait3A_831 = tpu.memref_slice %arg5[%add3A_816, %dma_wait3A_829, %dma_wait3A_830] : memref<8192x8x128xf32, #tpu.memory_space<hbm>> -> memref<32x8x128xf32, #tpu.memory_space<hbm>>
    %dma_wait3A_832 = arith.constant 0 : i32
    %dma_wait3A_833 = arith.constant 0 : i32
    %dma_wait3A_834 = arith.constant 0 : i32
    %dma_wait3A_835 = tpu.memref_slice %arg6[%dma_wait3A_817, %dma_wait3A_832, %dma_wait3A_833, %dma_wait3A_834] : memref<3x32x8x128xf32, #tpu.memory_space<vmem>> -> memref<1x32x8x128xf32, #tpu.memory_space<vmem>>
    %dma_wait3A_836 = tpu.memref_squeeze %dma_wait3A_835 : memref<1x32x8x128xf32, #tpu.memory_space<vmem>> -> memref<32x8x128xf32, #tpu.memory_space<vmem>>
    tpu.wait_dma2 semaphore(%dma_wait3A_828 : memref<!tpu.dma_semaphore, #tpu.memory_space<semaphore_mem>>) src(%dma_wait3A_836 : memref<32x8x128xf32, #tpu.memory_space<vmem>>) dst(%dma_wait3A_831 : memref<32x8x128xf32, #tpu.memory_space<hbm>>)
    %add3A_837 = arith.constant 96 : i32
    %add3A_838 = arith.addi %mul3A_2, %add3A_837 : i32
    %dma_start3A_839 = arith.constant 2 : i32
    %dma_start3A_840 = arith.constant 2 : i32
    %dma_start3A_841 = arith.constant 0 : i32
    %dma_start3A_842 = arith.constant 0 : i32
    %dma_start3A_843 = arith.constant 0 : i32
    %dma_start3A_844 = tpu.memref_slice %arg6[%dma_start3A_839, %dma_start3A_841, %dma_start3A_842, %dma_start3A_843] : memref<3x32x8x128xf32, #tpu.memory_space<vmem>> -> memref<1x32x8x128xf32, #tpu.memory_space<vmem>>
    %dma_start3A_845 = tpu.memref_squeeze %dma_start3A_844 : memref<1x32x8x128xf32, #tpu.memory_space<vmem>> -> memref<32x8x128xf32, #tpu.memory_space<vmem>>
    %dma_start3A_846 = arith.constant 0 : i32
    %dma_start3A_847 = arith.constant 0 : i32
    %dma_start3A_848 = tpu.memref_slice %arg3[%add3A_838, %dma_start3A_846, %dma_start3A_847] : memref<8192x8x128xf32, #tpu.memory_space<hbm>> -> memref<32x8x128xf32, #tpu.memory_space<hbm>>
    %dma_start3A_849 = tpu.memref_slice %arg7[%dma_start3A_840] : memref<3x!tpu.dma_semaphore, #tpu.memory_space<semaphore_mem>> -> memref<1x!tpu.dma_semaphore, #tpu.memory_space<semaphore_mem>>
    %dma_start3A_850 = tpu.memref_squeeze %dma_start3A_849 : memref<1x!tpu.dma_semaphore, #tpu.memory_space<semaphore_mem>> -> memref<!tpu.dma_semaphore, #tpu.memory_space<semaphore_mem>>
    %dma_start3A_851 = arith.constant 0 : i32
    %dma_start3A_852 = arith.constant 0 : i32
    %dma_start3A_853 = arith.constant 0 : i32
    %dma_start3A_854 = tpu.memref_slice %arg6[%dma_start3A_839, %dma_start3A_851, %dma_start3A_852, %dma_start3A_853] : memref<3x32x8x128xf32, #tpu.memory_space<vmem>> -> memref<1x32x8x128xf32, #tpu.memory_space<vmem>>
    %dma_start3A_855 = tpu.memref_squeeze %dma_start3A_854 : memref<1x32x8x128xf32, #tpu.memory_space<vmem>> -> memref<32x8x128xf32, #tpu.memory_space<vmem>>
    %dma_start3A_856 = arith.constant 0 : i32
    %dma_start3A_857 = arith.constant 0 : i32
    %dma_start3A_858 = tpu.memref_slice %arg3[%add3A_838, %dma_start3A_856, %dma_start3A_857] : memref<8192x8x128xf32, #tpu.memory_space<hbm>> -> memref<32x8x128xf32, #tpu.memory_space<hbm>>
    tpu.enqueue_dma source(%dma_start3A_858 : memref<32x8x128xf32, #tpu.memory_space<hbm>>) target(%dma_start3A_855 : memref<32x8x128xf32, #tpu.memory_space<vmem>>) target_semaphore(%dma_start3A_850 : memref<!tpu.dma_semaphore, #tpu.memory_space<semaphore_mem>>)
    %add3A_859 = arith.constant 32 : i32
    %add3A_860 = arith.addi %mul3A_2, %add3A_859 : i32
    %dma_wait3A_861 = arith.constant 0 : i32
    %dma_wait3A_862 = arith.constant 0 : i32
    %dma_wait3A_863 = arith.constant 0 : i32
    %dma_wait3A_864 = arith.constant 0 : i32
    %dma_wait3A_865 = arith.constant 0 : i32
    %dma_wait3A_866 = tpu.memref_slice %arg6[%dma_wait3A_861, %dma_wait3A_863, %dma_wait3A_864, %dma_wait3A_865] : memref<3x32x8x128xf32, #tpu.memory_space<vmem>> -> memref<1x32x8x128xf32, #tpu.memory_space<vmem>>
    %dma_wait3A_867 = tpu.memref_squeeze %dma_wait3A_866 : memref<1x32x8x128xf32, #tpu.memory_space<vmem>> -> memref<32x8x128xf32, #tpu.memory_space<vmem>>
    %dma_wait3A_868 = arith.constant 0 : i32
    %dma_wait3A_869 = arith.constant 0 : i32
    %dma_wait3A_870 = tpu.memref_slice %arg3[%add3A_860, %dma_wait3A_868, %dma_wait3A_869] : memref<8192x8x128xf32, #tpu.memory_space<hbm>> -> memref<32x8x128xf32, #tpu.memory_space<hbm>>
    %dma_wait3A_871 = tpu.memref_slice %arg7[%dma_wait3A_862] : memref<3x!tpu.dma_semaphore, #tpu.memory_space<semaphore_mem>> -> memref<1x!tpu.dma_semaphore, #tpu.memory_space<semaphore_mem>>
    %dma_wait3A_872 = tpu.memref_squeeze %dma_wait3A_871 : memref<1x!tpu.dma_semaphore, #tpu.memory_space<semaphore_mem>> -> memref<!tpu.dma_semaphore, #tpu.memory_space<semaphore_mem>>
    %dma_wait3A_873 = arith.constant 0 : i32
    %dma_wait3A_874 = arith.constant 0 : i32
    %dma_wait3A_875 = arith.constant 0 : i32
    %dma_wait3A_876 = tpu.memref_slice %arg6[%dma_wait3A_861, %dma_wait3A_873, %dma_wait3A_874, %dma_wait3A_875] : memref<3x32x8x128xf32, #tpu.memory_space<vmem>> -> memref<1x32x8x128xf32, #tpu.memory_space<vmem>>
    %dma_wait3A_877 = tpu.memref_squeeze %dma_wait3A_876 : memref<1x32x8x128xf32, #tpu.memory_space<vmem>> -> memref<32x8x128xf32, #tpu.memory_space<vmem>>
    %dma_wait3A_878 = arith.constant 0 : i32
    %dma_wait3A_879 = arith.constant 0 : i32
    %dma_wait3A_880 = tpu.memref_slice %arg3[%add3A_860, %dma_wait3A_878, %dma_wait3A_879] : memref<8192x8x128xf32, #tpu.memory_space<hbm>> -> memref<32x8x128xf32, #tpu.memory_space<hbm>>
    tpu.wait_dma2 semaphore(%dma_wait3A_872 : memref<!tpu.dma_semaphore, #tpu.memory_space<semaphore_mem>>) src(%dma_wait3A_880 : memref<32x8x128xf32, #tpu.memory_space<hbm>>) dst(%dma_wait3A_877 : memref<32x8x128xf32, #tpu.memory_space<vmem>>)
    %add3A_881 = arith.constant 32 : i32
    %add3A_882 = arith.addi %mul3A_2, %add3A_881 : i32
    %dma_start3A_883 = arith.constant 0 : i32
    %dma_start3A_884 = arith.constant 0 : i32
    %dma_start3A_885 = arith.constant 0 : i32
    %dma_start3A_886 = arith.constant 0 : i32
    %dma_start3A_887 = arith.constant 0 : i32
    %dma_start3A_888 = tpu.memref_slice %arg6[%dma_start3A_883, %dma_start3A_885, %dma_start3A_886, %dma_start3A_887] : memref<3x32x8x128xf32, #tpu.memory_space<vmem>> -> memref<1x32x8x128xf32, #tpu.memory_space<vmem>>
    %dma_start3A_889 = tpu.memref_squeeze %dma_start3A_888 : memref<1x32x8x128xf32, #tpu.memory_space<vmem>> -> memref<32x8x128xf32, #tpu.memory_space<vmem>>
    %dma_start3A_890 = arith.constant 0 : i32
    %dma_start3A_891 = arith.constant 0 : i32
    %dma_start3A_892 = tpu.memref_slice %arg5[%add3A_882, %dma_start3A_890, %dma_start3A_891] : memref<8192x8x128xf32, #tpu.memory_space<hbm>> -> memref<32x8x128xf32, #tpu.memory_space<hbm>>
    %dma_start3A_893 = tpu.memref_slice %arg8[%dma_start3A_884] : memref<3x!tpu.dma_semaphore, #tpu.memory_space<semaphore_mem>> -> memref<1x!tpu.dma_semaphore, #tpu.memory_space<semaphore_mem>>
    %dma_start3A_894 = tpu.memref_squeeze %dma_start3A_893 : memref<1x!tpu.dma_semaphore, #tpu.memory_space<semaphore_mem>> -> memref<!tpu.dma_semaphore, #tpu.memory_space<semaphore_mem>>
    %dma_start3A_895 = arith.constant 0 : i32
    %dma_start3A_896 = arith.constant 0 : i32
    %dma_start3A_897 = tpu.memref_slice %arg5[%add3A_882, %dma_start3A_895, %dma_start3A_896] : memref<8192x8x128xf32, #tpu.memory_space<hbm>> -> memref<32x8x128xf32, #tpu.memory_space<hbm>>
    %dma_start3A_898 = arith.constant 0 : i32
    %dma_start3A_899 = arith.constant 0 : i32
    %dma_start3A_900 = arith.constant 0 : i32
    %dma_start3A_901 = tpu.memref_slice %arg6[%dma_start3A_883, %dma_start3A_898, %dma_start3A_899, %dma_start3A_900] : memref<3x32x8x128xf32, #tpu.memory_space<vmem>> -> memref<1x32x8x128xf32, #tpu.memory_space<vmem>>
    %dma_start3A_902 = tpu.memref_squeeze %dma_start3A_901 : memref<1x32x8x128xf32, #tpu.memory_space<vmem>> -> memref<32x8x128xf32, #tpu.memory_space<vmem>>
    tpu.enqueue_dma source(%dma_start3A_902 : memref<32x8x128xf32, #tpu.memory_space<vmem>>) target(%dma_start3A_897 : memref<32x8x128xf32, #tpu.memory_space<hbm>>) target_semaphore(%dma_start3A_894 : memref<!tpu.dma_semaphore, #tpu.memory_space<semaphore_mem>>)
    %add3A_903 = arith.constant 32 : i32
    %add3A_904 = arith.addi %mul3A_2, %add3A_903 : i32
    %dma_wait3A_905 = arith.constant 0 : i32
    %dma_wait3A_906 = arith.constant 0 : i32
    %dma_wait3A_907 = arith.constant 0 : i32
    %dma_wait3A_908 = arith.constant 0 : i32
    %dma_wait3A_909 = arith.constant 0 : i32
    %dma_wait3A_910 = tpu.memref_slice %arg6[%dma_wait3A_905, %dma_wait3A_907, %dma_wait3A_908, %dma_wait3A_909] : memref<3x32x8x128xf32, #tpu.memory_space<vmem>> -> memref<1x32x8x128xf32, #tpu.memory_space<vmem>>
    %dma_wait3A_911 = tpu.memref_squeeze %dma_wait3A_910 : memref<1x32x8x128xf32, #tpu.memory_space<vmem>> -> memref<32x8x128xf32, #tpu.memory_space<vmem>>
    %dma_wait3A_912 = arith.constant 0 : i32
    %dma_wait3A_913 = arith.constant 0 : i32
    %dma_wait3A_914 = tpu.memref_slice %arg5[%add3A_904, %dma_wait3A_912, %dma_wait3A_913] : memref<8192x8x128xf32, #tpu.memory_space<hbm>> -> memref<32x8x128xf32, #tpu.memory_space<hbm>>
    %dma_wait3A_915 = tpu.memref_slice %arg8[%dma_wait3A_906] : memref<3x!tpu.dma_semaphore, #tpu.memory_space<semaphore_mem>> -> memref<1x!tpu.dma_semaphore, #tpu.memory_space<semaphore_mem>>
    %dma_wait3A_916 = tpu.memref_squeeze %dma_wait3A_915 : memref<1x!tpu.dma_semaphore, #tpu.memory_space<semaphore_mem>> -> memref<!tpu.dma_semaphore, #tpu.memory_space<semaphore_mem>>
    %dma_wait3A_917 = arith.constant 0 : i32
    %dma_wait3A_918 = arith.constant 0 : i32
    %dma_wait3A_919 = tpu.memref_slice %arg5[%add3A_904, %dma_wait3A_917, %dma_wait3A_918] : memref<8192x8x128xf32, #tpu.memory_space<hbm>> -> memref<32x8x128xf32, #tpu.memory_space<hbm>>
    %dma_wait3A_920 = arith.constant 0 : i32
    %dma_wait3A_921 = arith.constant 0 : i32
    %dma_wait3A_922 = arith.constant 0 : i32
    %dma_wait3A_923 = tpu.memref_slice %arg6[%dma_wait3A_905, %dma_wait3A_920, %dma_wait3A_921, %dma_wait3A_922] : memref<3x32x8x128xf32, #tpu.memory_space<vmem>> -> memref<1x32x8x128xf32, #tpu.memory_space<vmem>>
    %dma_wait3A_924 = tpu.memref_squeeze %dma_wait3A_923 : memref<1x32x8x128xf32, #tpu.memory_space<vmem>> -> memref<32x8x128xf32, #tpu.memory_space<vmem>>
    tpu.wait_dma2 semaphore(%dma_wait3A_916 : memref<!tpu.dma_semaphore, #tpu.memory_space<semaphore_mem>>) src(%dma_wait3A_924 : memref<32x8x128xf32, #tpu.memory_space<vmem>>) dst(%dma_wait3A_919 : memref<32x8x128xf32, #tpu.memory_space<hbm>>)
    %add3A_925 = arith.constant 128 : i32
    %add3A_926 = arith.addi %mul3A_2, %add3A_925 : i32
    %dma_start3A_927 = arith.constant 0 : i32
    %dma_start3A_928 = arith.constant 0 : i32
    %dma_start3A_929 = arith.constant 0 : i32
    %dma_start3A_930 = arith.constant 0 : i32
    %dma_start3A_931 = arith.constant 0 : i32
    %dma_start3A_932 = tpu.memref_slice %arg6[%dma_start3A_927, %dma_start3A_929, %dma_start3A_930, %dma_start3A_931] : memref<3x32x8x128xf32, #tpu.memory_space<vmem>> -> memref<1x32x8x128xf32, #tpu.memory_space<vmem>>
    %dma_start3A_933 = tpu.memref_squeeze %dma_start3A_932 : memref<1x32x8x128xf32, #tpu.memory_space<vmem>> -> memref<32x8x128xf32, #tpu.memory_space<vmem>>
    %dma_start3A_934 = arith.constant 0 : i32
    %dma_start3A_935 = arith.constant 0 : i32
    %dma_start3A_936 = tpu.memref_slice %arg3[%add3A_926, %dma_start3A_934, %dma_start3A_935] : memref<8192x8x128xf32, #tpu.memory_space<hbm>> -> memref<32x8x128xf32, #tpu.memory_space<hbm>>
    %dma_start3A_937 = tpu.memref_slice %arg7[%dma_start3A_928] : memref<3x!tpu.dma_semaphore, #tpu.memory_space<semaphore_mem>> -> memref<1x!tpu.dma_semaphore, #tpu.memory_space<semaphore_mem>>
    %dma_start3A_938 = tpu.memref_squeeze %dma_start3A_937 : memref<1x!tpu.dma_semaphore, #tpu.memory_space<semaphore_mem>> -> memref<!tpu.dma_semaphore, #tpu.memory_space<semaphore_mem>>
    %dma_start3A_939 = arith.constant 0 : i32
    %dma_start3A_940 = arith.constant 0 : i32
    %dma_start3A_941 = arith.constant 0 : i32
    %dma_start3A_942 = tpu.memref_slice %arg6[%dma_start3A_927, %dma_start3A_939, %dma_start3A_940, %dma_start3A_941] : memref<3x32x8x128xf32, #tpu.memory_space<vmem>> -> memref<1x32x8x128xf32, #tpu.memory_space<vmem>>
    %dma_start3A_943 = tpu.memref_squeeze %dma_start3A_942 : memref<1x32x8x128xf32, #tpu.memory_space<vmem>> -> memref<32x8x128xf32, #tpu.memory_space<vmem>>
    %dma_start3A_944 = arith.constant 0 : i32
    %dma_start3A_945 = arith.constant 0 : i32
    %dma_start3A_946 = tpu.memref_slice %arg3[%add3A_926, %dma_start3A_944, %dma_start3A_945] : memref<8192x8x128xf32, #tpu.memory_space<hbm>> -> memref<32x8x128xf32, #tpu.memory_space<hbm>>
    tpu.enqueue_dma source(%dma_start3A_946 : memref<32x8x128xf32, #tpu.memory_space<hbm>>) target(%dma_start3A_943 : memref<32x8x128xf32, #tpu.memory_space<vmem>>) target_semaphore(%dma_start3A_938 : memref<!tpu.dma_semaphore, #tpu.memory_space<semaphore_mem>>)
    %add3A_947 = arith.constant 64 : i32
    %add3A_948 = arith.addi %mul3A_2, %add3A_947 : i32
    %dma_wait3A_949 = arith.constant 1 : i32
    %dma_wait3A_950 = arith.constant 1 : i32
    %dma_wait3A_951 = arith.constant 0 : i32
    %dma_wait3A_952 = arith.constant 0 : i32
    %dma_wait3A_953 = arith.constant 0 : i32
    %dma_wait3A_954 = tpu.memref_slice %arg6[%dma_wait3A_949, %dma_wait3A_951, %dma_wait3A_952, %dma_wait3A_953] : memref<3x32x8x128xf32, #tpu.memory_space<vmem>> -> memref<1x32x8x128xf32, #tpu.memory_space<vmem>>
    %dma_wait3A_955 = tpu.memref_squeeze %dma_wait3A_954 : memref<1x32x8x128xf32, #tpu.memory_space<vmem>> -> memref<32x8x128xf32, #tpu.memory_space<vmem>>
    %dma_wait3A_956 = arith.constant 0 : i32
    %dma_wait3A_957 = arith.constant 0 : i32
    %dma_wait3A_958 = tpu.memref_slice %arg3[%add3A_948, %dma_wait3A_956, %dma_wait3A_957] : memref<8192x8x128xf32, #tpu.memory_space<hbm>> -> memref<32x8x128xf32, #tpu.memory_space<hbm>>
    %dma_wait3A_959 = tpu.memref_slice %arg7[%dma_wait3A_950] : memref<3x!tpu.dma_semaphore, #tpu.memory_space<semaphore_mem>> -> memref<1x!tpu.dma_semaphore, #tpu.memory_space<semaphore_mem>>
    %dma_wait3A_960 = tpu.memref_squeeze %dma_wait3A_959 : memref<1x!tpu.dma_semaphore, #tpu.memory_space<semaphore_mem>> -> memref<!tpu.dma_semaphore, #tpu.memory_space<semaphore_mem>>
    %dma_wait3A_961 = arith.constant 0 : i32
    %dma_wait3A_962 = arith.constant 0 : i32
    %dma_wait3A_963 = arith.constant 0 : i32
    %dma_wait3A_964 = tpu.memref_slice %arg6[%dma_wait3A_949, %dma_wait3A_961, %dma_wait3A_962, %dma_wait3A_963] : memref<3x32x8x128xf32, #tpu.memory_space<vmem>> -> memref<1x32x8x128xf32, #tpu.memory_space<vmem>>
    %dma_wait3A_965 = tpu.memref_squeeze %dma_wait3A_964 : memref<1x32x8x128xf32, #tpu.memory_space<vmem>> -> memref<32x8x128xf32, #tpu.memory_space<vmem>>
    %dma_wait3A_966 = arith.constant 0 : i32
    %dma_wait3A_967 = arith.constant 0 : i32
    %dma_wait3A_968 = tpu.memref_slice %arg3[%add3A_948, %dma_wait3A_966, %dma_wait3A_967] : memref<8192x8x128xf32, #tpu.memory_space<hbm>> -> memref<32x8x128xf32, #tpu.memory_space<hbm>>
    tpu.wait_dma2 semaphore(%dma_wait3A_960 : memref<!tpu.dma_semaphore, #tpu.memory_space<semaphore_mem>>) src(%dma_wait3A_968 : memref<32x8x128xf32, #tpu.memory_space<hbm>>) dst(%dma_wait3A_965 : memref<32x8x128xf32, #tpu.memory_space<vmem>>)
    %add3A_969 = arith.constant 64 : i32
    %add3A_970 = arith.addi %mul3A_2, %add3A_969 : i32
    %dma_start3A_971 = arith.constant 1 : i32
    %dma_start3A_972 = arith.constant 1 : i32
    %dma_start3A_973 = arith.constant 0 : i32
    %dma_start3A_974 = arith.constant 0 : i32
    %dma_start3A_975 = arith.constant 0 : i32
    %dma_start3A_976 = tpu.memref_slice %arg6[%dma_start3A_971, %dma_start3A_973, %dma_start3A_974, %dma_start3A_975] : memref<3x32x8x128xf32, #tpu.memory_space<vmem>> -> memref<1x32x8x128xf32, #tpu.memory_space<vmem>>
    %dma_start3A_977 = tpu.memref_squeeze %dma_start3A_976 : memref<1x32x8x128xf32, #tpu.memory_space<vmem>> -> memref<32x8x128xf32, #tpu.memory_space<vmem>>
    %dma_start3A_978 = arith.constant 0 : i32
    %dma_start3A_979 = arith.constant 0 : i32
    %dma_start3A_980 = tpu.memref_slice %arg5[%add3A_970, %dma_start3A_978, %dma_start3A_979] : memref<8192x8x128xf32, #tpu.memory_space<hbm>> -> memref<32x8x128xf32, #tpu.memory_space<hbm>>
    %dma_start3A_981 = tpu.memref_slice %arg8[%dma_start3A_972] : memref<3x!tpu.dma_semaphore, #tpu.memory_space<semaphore_mem>> -> memref<1x!tpu.dma_semaphore, #tpu.memory_space<semaphore_mem>>
    %dma_start3A_982 = tpu.memref_squeeze %dma_start3A_981 : memref<1x!tpu.dma_semaphore, #tpu.memory_space<semaphore_mem>> -> memref<!tpu.dma_semaphore, #tpu.memory_space<semaphore_mem>>
    %dma_start3A_983 = arith.constant 0 : i32
    %dma_start3A_984 = arith.constant 0 : i32
    %dma_start3A_985 = tpu.memref_slice %arg5[%add3A_970, %dma_start3A_983, %dma_start3A_984] : memref<8192x8x128xf32, #tpu.memory_space<hbm>> -> memref<32x8x128xf32, #tpu.memory_space<hbm>>
    %dma_start3A_986 = arith.constant 0 : i32
    %dma_start3A_987 = arith.constant 0 : i32
    %dma_start3A_988 = arith.constant 0 : i32
    %dma_start3A_989 = tpu.memref_slice %arg6[%dma_start3A_971, %dma_start3A_986, %dma_start3A_987, %dma_start3A_988] : memref<3x32x8x128xf32, #tpu.memory_space<vmem>> -> memref<1x32x8x128xf32, #tpu.memory_space<vmem>>
    %dma_start3A_990 = tpu.memref_squeeze %dma_start3A_989 : memref<1x32x8x128xf32, #tpu.memory_space<vmem>> -> memref<32x8x128xf32, #tpu.memory_space<vmem>>
    tpu.enqueue_dma source(%dma_start3A_990 : memref<32x8x128xf32, #tpu.memory_space<vmem>>) target(%dma_start3A_985 : memref<32x8x128xf32, #tpu.memory_space<hbm>>) target_semaphore(%dma_start3A_982 : memref<!tpu.dma_semaphore, #tpu.memory_space<semaphore_mem>>)
    %add3A_991 = arith.constant 64 : i32
    %add3A_992 = arith.addi %mul3A_2, %add3A_991 : i32
    %dma_wait3A_993 = arith.constant 1 : i32
    %dma_wait3A_994 = arith.constant 1 : i32
    %dma_wait3A_995 = arith.constant 0 : i32
    %dma_wait3A_996 = arith.constant 0 : i32
    %dma_wait3A_997 = arith.constant 0 : i32
    %dma_wait3A_998 = tpu.memref_slice %arg6[%dma_wait3A_993, %dma_wait3A_995, %dma_wait3A_996, %dma_wait3A_997] : memref<3x32x8x128xf32, #tpu.memory_space<vmem>> -> memref<1x32x8x128xf32, #tpu.memory_space<vmem>>
    %dma_wait3A_999 = tpu.memref_squeeze %dma_wait3A_998 : memref<1x32x8x128xf32, #tpu.memory_space<vmem>> -> memref<32x8x128xf32, #tpu.memory_space<vmem>>
    %dma_wait3A_1000 = arith.constant 0 : i32
    %dma_wait3A_1001 = arith.constant 0 : i32
    %dma_wait3A_1002 = tpu.memref_slice %arg5[%add3A_992, %dma_wait3A_1000, %dma_wait3A_1001] : memref<8192x8x128xf32, #tpu.memory_space<hbm>> -> memref<32x8x128xf32, #tpu.memory_space<hbm>>
    %dma_wait3A_1003 = tpu.memref_slice %arg8[%dma_wait3A_994] : memref<3x!tpu.dma_semaphore, #tpu.memory_space<semaphore_mem>> -> memref<1x!tpu.dma_semaphore, #tpu.memory_space<semaphore_mem>>
    %dma_wait3A_1004 = tpu.memref_squeeze %dma_wait3A_1003 : memref<1x!tpu.dma_semaphore, #tpu.memory_space<semaphore_mem>> -> memref<!tpu.dma_semaphore, #tpu.memory_space<semaphore_mem>>
    %dma_wait3A_1005 = arith.constant 0 : i32
    %dma_wait3A_1006 = arith.constant 0 : i32
    %dma_wait3A_1007 = tpu.memref_slice %arg5[%add3A_992, %dma_wait3A_1005, %dma_wait3A_1006] : memref<8192x8x128xf32, #tpu.memory_space<hbm>> -> memref<32x8x128xf32, #tpu.memory_space<hbm>>
    %dma_wait3A_1008 = arith.constant 0 : i32
    %dma_wait3A_1009 = arith.constant 0 : i32
    %dma_wait3A_1010 = arith.constant 0 : i32
    %dma_wait3A_1011 = tpu.memref_slice %arg6[%dma_wait3A_993, %dma_wait3A_1008, %dma_wait3A_1009, %dma_wait3A_1010] : memref<3x32x8x128xf32, #tpu.memory_space<vmem>> -> memref<1x32x8x128xf32, #tpu.memory_space<vmem>>
    %dma_wait3A_1012 = tpu.memref_squeeze %dma_wait3A_1011 : memref<1x32x8x128xf32, #tpu.memory_space<vmem>> -> memref<32x8x128xf32, #tpu.memory_space<vmem>>
    tpu.wait_dma2 semaphore(%dma_wait3A_1004 : memref<!tpu.dma_semaphore, #tpu.memory_space<semaphore_mem>>) src(%dma_wait3A_1012 : memref<32x8x128xf32, #tpu.memory_space<vmem>>) dst(%dma_wait3A_1007 : memref<32x8x128xf32, #tpu.memory_space<hbm>>)
    %add3A_1013 = arith.constant 160 : i32
    %add3A_1014 = arith.addi %mul3A_2, %add3A_1013 : i32
    %dma_start3A_1015 = arith.constant 1 : i32
    %dma_start3A_1016 = arith.constant 1 : i32
    %dma_start3A_1017 = arith.constant 0 : i32
    %dma_start3A_1018 = arith.constant 0 : i32
    %dma_start3A_1019 = arith.constant 0 : i32
    %dma_start3A_1020 = tpu.memref_slice %arg6[%dma_start3A_1015, %dma_start3A_1017, %dma_start3A_1018, %dma_start3A_1019] : memref<3x32x8x128xf32, #tpu.memory_space<vmem>> -> memref<1x32x8x128xf32, #tpu.memory_space<vmem>>
    %dma_start3A_1021 = tpu.memref_squeeze %dma_start3A_1020 : memref<1x32x8x128xf32, #tpu.memory_space<vmem>> -> memref<32x8x128xf32, #tpu.memory_space<vmem>>
    %dma_start3A_1022 = arith.constant 0 : i32
    %dma_start3A_1023 = arith.constant 0 : i32
    %dma_start3A_1024 = tpu.memref_slice %arg3[%add3A_1014, %dma_start3A_1022, %dma_start3A_1023] : memref<8192x8x128xf32, #tpu.memory_space<hbm>> -> memref<32x8x128xf32, #tpu.memory_space<hbm>>
    %dma_start3A_1025 = tpu.memref_slice %arg7[%dma_start3A_1016] : memref<3x!tpu.dma_semaphore, #tpu.memory_space<semaphore_mem>> -> memref<1x!tpu.dma_semaphore, #tpu.memory_space<semaphore_mem>>
    %dma_start3A_1026 = tpu.memref_squeeze %dma_start3A_1025 : memref<1x!tpu.dma_semaphore, #tpu.memory_space<semaphore_mem>> -> memref<!tpu.dma_semaphore, #tpu.memory_space<semaphore_mem>>
    %dma_start3A_1027 = arith.constant 0 : i32
    %dma_start3A_1028 = arith.constant 0 : i32
    %dma_start3A_1029 = arith.constant 0 : i32
    %dma_start3A_1030 = tpu.memref_slice %arg6[%dma_start3A_1015, %dma_start3A_1027, %dma_start3A_1028, %dma_start3A_1029] : memref<3x32x8x128xf32, #tpu.memory_space<vmem>> -> memref<1x32x8x128xf32, #tpu.memory_space<vmem>>
    %dma_start3A_1031 = tpu.memref_squeeze %dma_start3A_1030 : memref<1x32x8x128xf32, #tpu.memory_space<vmem>> -> memref<32x8x128xf32, #tpu.memory_space<vmem>>
    %dma_start3A_1032 = arith.constant 0 : i32
    %dma_start3A_1033 = arith.constant 0 : i32
    %dma_start3A_1034 = tpu.memref_slice %arg3[%add3A_1014, %dma_start3A_1032, %dma_start3A_1033] : memref<8192x8x128xf32, #tpu.memory_space<hbm>> -> memref<32x8x128xf32, #tpu.memory_space<hbm>>
    tpu.enqueue_dma source(%dma_start3A_1034 : memref<32x8x128xf32, #tpu.memory_space<hbm>>) target(%dma_start3A_1031 : memref<32x8x128xf32, #tpu.memory_space<vmem>>) target_semaphore(%dma_start3A_1026 : memref<!tpu.dma_semaphore, #tpu.memory_space<semaphore_mem>>)
    %add3A_1035 = arith.constant 96 : i32
    %add3A_1036 = arith.addi %mul3A_2, %add3A_1035 : i32
    %dma_wait3A_1037 = arith.constant 2 : i32
    %dma_wait3A_1038 = arith.constant 2 : i32
    %dma_wait3A_1039 = arith.constant 0 : i32
    %dma_wait3A_1040 = arith.constant 0 : i32
    %dma_wait3A_1041 = arith.constant 0 : i32
    %dma_wait3A_1042 = tpu.memref_slice %arg6[%dma_wait3A_1037, %dma_wait3A_1039, %dma_wait3A_1040, %dma_wait3A_1041] : memref<3x32x8x128xf32, #tpu.memory_space<vmem>> -> memref<1x32x8x128xf32, #tpu.memory_space<vmem>>
    %dma_wait3A_1043 = tpu.memref_squeeze %dma_wait3A_1042 : memref<1x32x8x128xf32, #tpu.memory_space<vmem>> -> memref<32x8x128xf32, #tpu.memory_space<vmem>>
    %dma_wait3A_1044 = arith.constant 0 : i32
    %dma_wait3A_1045 = arith.constant 0 : i32
    %dma_wait3A_1046 = tpu.memref_slice %arg3[%add3A_1036, %dma_wait3A_1044, %dma_wait3A_1045] : memref<8192x8x128xf32, #tpu.memory_space<hbm>> -> memref<32x8x128xf32, #tpu.memory_space<hbm>>
    %dma_wait3A_1047 = tpu.memref_slice %arg7[%dma_wait3A_1038] : memref<3x!tpu.dma_semaphore, #tpu.memory_space<semaphore_mem>> -> memref<1x!tpu.dma_semaphore, #tpu.memory_space<semaphore_mem>>
    %dma_wait3A_1048 = tpu.memref_squeeze %dma_wait3A_1047 : memref<1x!tpu.dma_semaphore, #tpu.memory_space<semaphore_mem>> -> memref<!tpu.dma_semaphore, #tpu.memory_space<semaphore_mem>>
    %dma_wait3A_1049 = arith.constant 0 : i32
    %dma_wait3A_1050 = arith.constant 0 : i32
    %dma_wait3A_1051 = arith.constant 0 : i32
    %dma_wait3A_1052 = tpu.memref_slice %arg6[%dma_wait3A_1037, %dma_wait3A_1049, %dma_wait3A_1050, %dma_wait3A_1051] : memref<3x32x8x128xf32, #tpu.memory_space<vmem>> -> memref<1x32x8x128xf32, #tpu.memory_space<vmem>>
    %dma_wait3A_1053 = tpu.memref_squeeze %dma_wait3A_1052 : memref<1x32x8x128xf32, #tpu.memory_space<vmem>> -> memref<32x8x128xf32, #tpu.memory_space<vmem>>
    %dma_wait3A_1054 = arith.constant 0 : i32
    %dma_wait3A_1055 = arith.constant 0 : i32
    %dma_wait3A_1056 = tpu.memref_slice %arg3[%add3A_1036, %dma_wait3A_1054, %dma_wait3A_1055] : memref<8192x8x128xf32, #tpu.memory_space<hbm>> -> memref<32x8x128xf32, #tpu.memory_space<hbm>>
    tpu.wait_dma2 semaphore(%dma_wait3A_1048 : memref<!tpu.dma_semaphore, #tpu.memory_space<semaphore_mem>>) src(%dma_wait3A_1056 : memref<32x8x128xf32, #tpu.memory_space<hbm>>) dst(%dma_wait3A_1053 : memref<32x8x128xf32, #tpu.memory_space<vmem>>)
    %add3A_1057 = arith.constant 96 : i32
    %add3A_1058 = arith.addi %mul3A_2, %add3A_1057 : i32
    %dma_start3A_1059 = arith.constant 2 : i32
    %dma_start3A_1060 = arith.constant 2 : i32
    %dma_start3A_1061 = arith.constant 0 : i32
    %dma_start3A_1062 = arith.constant 0 : i32
    %dma_start3A_1063 = arith.constant 0 : i32
    %dma_start3A_1064 = tpu.memref_slice %arg6[%dma_start3A_1059, %dma_start3A_1061, %dma_start3A_1062, %dma_start3A_1063] : memref<3x32x8x128xf32, #tpu.memory_space<vmem>> -> memref<1x32x8x128xf32, #tpu.memory_space<vmem>>
    %dma_start3A_1065 = tpu.memref_squeeze %dma_start3A_1064 : memref<1x32x8x128xf32, #tpu.memory_space<vmem>> -> memref<32x8x128xf32, #tpu.memory_space<vmem>>
    %dma_start3A_1066 = arith.constant 0 : i32
    %dma_start3A_1067 = arith.constant 0 : i32
    %dma_start3A_1068 = tpu.memref_slice %arg5[%add3A_1058, %dma_start3A_1066, %dma_start3A_1067] : memref<8192x8x128xf32, #tpu.memory_space<hbm>> -> memref<32x8x128xf32, #tpu.memory_space<hbm>>
    %dma_start3A_1069 = tpu.memref_slice %arg8[%dma_start3A_1060] : memref<3x!tpu.dma_semaphore, #tpu.memory_space<semaphore_mem>> -> memref<1x!tpu.dma_semaphore, #tpu.memory_space<semaphore_mem>>
    %dma_start3A_1070 = tpu.memref_squeeze %dma_start3A_1069 : memref<1x!tpu.dma_semaphore, #tpu.memory_space<semaphore_mem>> -> memref<!tpu.dma_semaphore, #tpu.memory_space<semaphore_mem>>
    %dma_start3A_1071 = arith.constant 0 : i32
    %dma_start3A_1072 = arith.constant 0 : i32
    %dma_start3A_1073 = tpu.memref_slice %arg5[%add3A_1058, %dma_start3A_1071, %dma_start3A_1072] : memref<8192x8x128xf32, #tpu.memory_space<hbm>> -> memref<32x8x128xf32, #tpu.memory_space<hbm>>
    %dma_start3A_1074 = arith.constant 0 : i32
    %dma_start3A_1075 = arith.constant 0 : i32
    %dma_start3A_1076 = arith.constant 0 : i32
    %dma_start3A_1077 = tpu.memref_slice %arg6[%dma_start3A_1059, %dma_start3A_1074, %dma_start3A_1075, %dma_start3A_1076] : memref<3x32x8x128xf32, #tpu.memory_space<vmem>> -> memref<1x32x8x128xf32, #tpu.memory_space<vmem>>
    %dma_start3A_1078 = tpu.memref_squeeze %dma_start3A_1077 : memref<1x32x8x128xf32, #tpu.memory_space<vmem>> -> memref<32x8x128xf32, #tpu.memory_space<vmem>>
    tpu.enqueue_dma source(%dma_start3A_1078 : memref<32x8x128xf32, #tpu.memory_space<vmem>>) target(%dma_start3A_1073 : memref<32x8x128xf32, #tpu.memory_space<hbm>>) target_semaphore(%dma_start3A_1070 : memref<!tpu.dma_semaphore, #tpu.memory_space<semaphore_mem>>)
    %add3A_1079 = arith.constant 96 : i32
    %add3A_1080 = arith.addi %mul3A_2, %add3A_1079 : i32
    %dma_wait3A_1081 = arith.constant 2 : i32
    %dma_wait3A_1082 = arith.constant 2 : i32
    %dma_wait3A_1083 = arith.constant 0 : i32
    %dma_wait3A_1084 = arith.constant 0 : i32
    %dma_wait3A_1085 = arith.constant 0 : i32
    %dma_wait3A_1086 = tpu.memref_slice %arg6[%dma_wait3A_1081, %dma_wait3A_1083, %dma_wait3A_1084, %dma_wait3A_1085] : memref<3x32x8x128xf32, #tpu.memory_space<vmem>> -> memref<1x32x8x128xf32, #tpu.memory_space<vmem>>
    %dma_wait3A_1087 = tpu.memref_squeeze %dma_wait3A_1086 : memref<1x32x8x128xf32, #tpu.memory_space<vmem>> -> memref<32x8x128xf32, #tpu.memory_space<vmem>>
    %dma_wait3A_1088 = arith.constant 0 : i32
    %dma_wait3A_1089 = arith.constant 0 : i32
    %dma_wait3A_1090 = tpu.memref_slice %arg5[%add3A_1080, %dma_wait3A_1088, %dma_wait3A_1089] : memref<8192x8x128xf32, #tpu.memory_space<hbm>> -> memref<32x8x128xf32, #tpu.memory_space<hbm>>
    %dma_wait3A_1091 = tpu.memref_slice %arg8[%dma_wait3A_1082] : memref<3x!tpu.dma_semaphore, #tpu.memory_space<semaphore_mem>> -> memref<1x!tpu.dma_semaphore, #tpu.memory_space<semaphore_mem>>
    %dma_wait3A_1092 = tpu.memref_squeeze %dma_wait3A_1091 : memref<1x!tpu.dma_semaphore, #tpu.memory_space<semaphore_mem>> -> memref<!tpu.dma_semaphore, #tpu.memory_space<semaphore_mem>>
    %dma_wait3A_1093 = arith.constant 0 : i32
    %dma_wait3A_1094 = arith.constant 0 : i32
    %dma_wait3A_1095 = tpu.memref_slice %arg5[%add3A_1080, %dma_wait3A_1093, %dma_wait3A_1094] : memref<8192x8x128xf32, #tpu.memory_space<hbm>> -> memref<32x8x128xf32, #tpu.memory_space<hbm>>
    %dma_wait3A_1096 = arith.constant 0 : i32
    %dma_wait3A_1097 = arith.constant 0 : i32
    %dma_wait3A_1098 = arith.constant 0 : i32
    %dma_wait3A_1099 = tpu.memref_slice %arg6[%dma_wait3A_1081, %dma_wait3A_1096, %dma_wait3A_1097, %dma_wait3A_1098] : memref<3x32x8x128xf32, #tpu.memory_space<vmem>> -> memref<1x32x8x128xf32, #tpu.memory_space<vmem>>
    %dma_wait3A_1100 = tpu.memref_squeeze %dma_wait3A_1099 : memref<1x32x8x128xf32, #tpu.memory_space<vmem>> -> memref<32x8x128xf32, #tpu.memory_space<vmem>>
    tpu.wait_dma2 semaphore(%dma_wait3A_1092 : memref<!tpu.dma_semaphore, #tpu.memory_space<semaphore_mem>>) src(%dma_wait3A_1100 : memref<32x8x128xf32, #tpu.memory_space<vmem>>) dst(%dma_wait3A_1095 : memref<32x8x128xf32, #tpu.memory_space<hbm>>)
    %add3A_1101 = arith.constant 192 : i32
    %add3A_1102 = arith.addi %mul3A_2, %add3A_1101 : i32
    %dma_start3A_1103 = arith.constant 2 : i32
    %dma_start3A_1104 = arith.constant 2 : i32
    %dma_start3A_1105 = arith.constant 0 : i32
    %dma_start3A_1106 = arith.constant 0 : i32
    %dma_start3A_1107 = arith.constant 0 : i32
    %dma_start3A_1108 = tpu.memref_slice %arg6[%dma_start3A_1103, %dma_start3A_1105, %dma_start3A_1106, %dma_start3A_1107] : memref<3x32x8x128xf32, #tpu.memory_space<vmem>> -> memref<1x32x8x128xf32, #tpu.memory_space<vmem>>
    %dma_start3A_1109 = tpu.memref_squeeze %dma_start3A_1108 : memref<1x32x8x128xf32, #tpu.memory_space<vmem>> -> memref<32x8x128xf32, #tpu.memory_space<vmem>>
    %dma_start3A_1110 = arith.constant 0 : i32
    %dma_start3A_1111 = arith.constant 0 : i32
    %dma_start3A_1112 = tpu.memref_slice %arg3[%add3A_1102, %dma_start3A_1110, %dma_start3A_1111] : memref<8192x8x128xf32, #tpu.memory_space<hbm>> -> memref<32x8x128xf32, #tpu.memory_space<hbm>>
    %dma_start3A_1113 = tpu.memref_slice %arg7[%dma_start3A_1104] : memref<3x!tpu.dma_semaphore, #tpu.memory_space<semaphore_mem>> -> memref<1x!tpu.dma_semaphore, #tpu.memory_space<semaphore_mem>>
    %dma_start3A_1114 = tpu.memref_squeeze %dma_start3A_1113 : memref<1x!tpu.dma_semaphore, #tpu.memory_space<semaphore_mem>> -> memref<!tpu.dma_semaphore, #tpu.memory_space<semaphore_mem>>
    %dma_start3A_1115 = arith.constant 0 : i32
    %dma_start3A_1116 = arith.constant 0 : i32
    %dma_start3A_1117 = arith.constant 0 : i32
    %dma_start3A_1118 = tpu.memref_slice %arg6[%dma_start3A_1103, %dma_start3A_1115, %dma_start3A_1116, %dma_start3A_1117] : memref<3x32x8x128xf32, #tpu.memory_space<vmem>> -> memref<1x32x8x128xf32, #tpu.memory_space<vmem>>
    %dma_start3A_1119 = tpu.memref_squeeze %dma_start3A_1118 : memref<1x32x8x128xf32, #tpu.memory_space<vmem>> -> memref<32x8x128xf32, #tpu.memory_space<vmem>>
    %dma_start3A_1120 = arith.constant 0 : i32
    %dma_start3A_1121 = arith.constant 0 : i32
    %dma_start3A_1122 = tpu.memref_slice %arg3[%add3A_1102, %dma_start3A_1120, %dma_start3A_1121] : memref<8192x8x128xf32, #tpu.memory_space<hbm>> -> memref<32x8x128xf32, #tpu.memory_space<hbm>>
    tpu.enqueue_dma source(%dma_start3A_1122 : memref<32x8x128xf32, #tpu.memory_space<hbm>>) target(%dma_start3A_1119 : memref<32x8x128xf32, #tpu.memory_space<vmem>>) target_semaphore(%dma_start3A_1114 : memref<!tpu.dma_semaphore, #tpu.memory_space<semaphore_mem>>)
    %add3A_1123 = arith.constant 128 : i32
    %add3A_1124 = arith.addi %mul3A_2, %add3A_1123 : i32
    %dma_wait3A_1125 = arith.constant 0 : i32
    %dma_wait3A_1126 = arith.constant 0 : i32
    %dma_wait3A_1127 = arith.constant 0 : i32
    %dma_wait3A_1128 = arith.constant 0 : i32
    %dma_wait3A_1129 = arith.constant 0 : i32
    %dma_wait3A_1130 = tpu.memref_slice %arg6[%dma_wait3A_1125, %dma_wait3A_1127, %dma_wait3A_1128, %dma_wait3A_1129] : memref<3x32x8x128xf32, #tpu.memory_space<vmem>> -> memref<1x32x8x128xf32, #tpu.memory_space<vmem>>
    %dma_wait3A_1131 = tpu.memref_squeeze %dma_wait3A_1130 : memref<1x32x8x128xf32, #tpu.memory_space<vmem>> -> memref<32x8x128xf32, #tpu.memory_space<vmem>>
    %dma_wait3A_1132 = arith.constant 0 : i32
    %dma_wait3A_1133 = arith.constant 0 : i32
    %dma_wait3A_1134 = tpu.memref_slice %arg3[%add3A_1124, %dma_wait3A_1132, %dma_wait3A_1133] : memref<8192x8x128xf32, #tpu.memory_space<hbm>> -> memref<32x8x128xf32, #tpu.memory_space<hbm>>
    %dma_wait3A_1135 = tpu.memref_slice %arg7[%dma_wait3A_1126] : memref<3x!tpu.dma_semaphore, #tpu.memory_space<semaphore_mem>> -> memref<1x!tpu.dma_semaphore, #tpu.memory_space<semaphore_mem>>
    %dma_wait3A_1136 = tpu.memref_squeeze %dma_wait3A_1135 : memref<1x!tpu.dma_semaphore, #tpu.memory_space<semaphore_mem>> -> memref<!tpu.dma_semaphore, #tpu.memory_space<semaphore_mem>>
    %dma_wait3A_1137 = arith.constant 0 : i32
    %dma_wait3A_1138 = arith.constant 0 : i32
    %dma_wait3A_1139 = arith.constant 0 : i32
    %dma_wait3A_1140 = tpu.memref_slice %arg6[%dma_wait3A_1125, %dma_wait3A_1137, %dma_wait3A_1138, %dma_wait3A_1139] : memref<3x32x8x128xf32, #tpu.memory_space<vmem>> -> memref<1x32x8x128xf32, #tpu.memory_space<vmem>>
    %dma_wait3A_1141 = tpu.memref_squeeze %dma_wait3A_1140 : memref<1x32x8x128xf32, #tpu.memory_space<vmem>> -> memref<32x8x128xf32, #tpu.memory_space<vmem>>
    %dma_wait3A_1142 = arith.constant 0 : i32
    %dma_wait3A_1143 = arith.constant 0 : i32
    %dma_wait3A_1144 = tpu.memref_slice %arg3[%add3A_1124, %dma_wait3A_1142, %dma_wait3A_1143] : memref<8192x8x128xf32, #tpu.memory_space<hbm>> -> memref<32x8x128xf32, #tpu.memory_space<hbm>>
    tpu.wait_dma2 semaphore(%dma_wait3A_1136 : memref<!tpu.dma_semaphore, #tpu.memory_space<semaphore_mem>>) src(%dma_wait3A_1144 : memref<32x8x128xf32, #tpu.memory_space<hbm>>) dst(%dma_wait3A_1141 : memref<32x8x128xf32, #tpu.memory_space<vmem>>)
    %add3A_1145 = arith.constant 128 : i32
    %add3A_1146 = arith.addi %mul3A_2, %add3A_1145 : i32
    %dma_start3A_1147 = arith.constant 0 : i32
    %dma_start3A_1148 = arith.constant 0 : i32
    %dma_start3A_1149 = arith.constant 0 : i32
    %dma_start3A_1150 = arith.constant 0 : i32
    %dma_start3A_1151 = arith.constant 0 : i32
    %dma_start3A_1152 = tpu.memref_slice %arg6[%dma_start3A_1147, %dma_start3A_1149, %dma_start3A_1150, %dma_start3A_1151] : memref<3x32x8x128xf32, #tpu.memory_space<vmem>> -> memref<1x32x8x128xf32, #tpu.memory_space<vmem>>
    %dma_start3A_1153 = tpu.memref_squeeze %dma_start3A_1152 : memref<1x32x8x128xf32, #tpu.memory_space<vmem>> -> memref<32x8x128xf32, #tpu.memory_space<vmem>>
    %dma_start3A_1154 = arith.constant 0 : i32
    %dma_start3A_1155 = arith.constant 0 : i32
    %dma_start3A_1156 = tpu.memref_slice %arg5[%add3A_1146, %dma_start3A_1154, %dma_start3A_1155] : memref<8192x8x128xf32, #tpu.memory_space<hbm>> -> memref<32x8x128xf32, #tpu.memory_space<hbm>>
    %dma_start3A_1157 = tpu.memref_slice %arg8[%dma_start3A_1148] : memref<3x!tpu.dma_semaphore, #tpu.memory_space<semaphore_mem>> -> memref<1x!tpu.dma_semaphore, #tpu.memory_space<semaphore_mem>>
    %dma_start3A_1158 = tpu.memref_squeeze %dma_start3A_1157 : memref<1x!tpu.dma_semaphore, #tpu.memory_space<semaphore_mem>> -> memref<!tpu.dma_semaphore, #tpu.memory_space<semaphore_mem>>
    %dma_start3A_1159 = arith.constant 0 : i32
    %dma_start3A_1160 = arith.constant 0 : i32
    %dma_start3A_1161 = tpu.memref_slice %arg5[%add3A_1146, %dma_start3A_1159, %dma_start3A_1160] : memref<8192x8x128xf32, #tpu.memory_space<hbm>> -> memref<32x8x128xf32, #tpu.memory_space<hbm>>
    %dma_start3A_1162 = arith.constant 0 : i32
    %dma_start3A_1163 = arith.constant 0 : i32
    %dma_start3A_1164 = arith.constant 0 : i32
    %dma_start3A_1165 = tpu.memref_slice %arg6[%dma_start3A_1147, %dma_start3A_1162, %dma_start3A_1163, %dma_start3A_1164] : memref<3x32x8x128xf32, #tpu.memory_space<vmem>> -> memref<1x32x8x128xf32, #tpu.memory_space<vmem>>
    %dma_start3A_1166 = tpu.memref_squeeze %dma_start3A_1165 : memref<1x32x8x128xf32, #tpu.memory_space<vmem>> -> memref<32x8x128xf32, #tpu.memory_space<vmem>>
    tpu.enqueue_dma source(%dma_start3A_1166 : memref<32x8x128xf32, #tpu.memory_space<vmem>>) target(%dma_start3A_1161 : memref<32x8x128xf32, #tpu.memory_space<hbm>>) target_semaphore(%dma_start3A_1158 : memref<!tpu.dma_semaphore, #tpu.memory_space<semaphore_mem>>)
    %add3A_1167 = arith.constant 128 : i32
    %add3A_1168 = arith.addi %mul3A_2, %add3A_1167 : i32
    %dma_wait3A_1169 = arith.constant 0 : i32
    %dma_wait3A_1170 = arith.constant 0 : i32
    %dma_wait3A_1171 = arith.constant 0 : i32
    %dma_wait3A_1172 = arith.constant 0 : i32
    %dma_wait3A_1173 = arith.constant 0 : i32
    %dma_wait3A_1174 = tpu.memref_slice %arg6[%dma_wait3A_1169, %dma_wait3A_1171, %dma_wait3A_1172, %dma_wait3A_1173] : memref<3x32x8x128xf32, #tpu.memory_space<vmem>> -> memref<1x32x8x128xf32, #tpu.memory_space<vmem>>
    %dma_wait3A_1175 = tpu.memref_squeeze %dma_wait3A_1174 : memref<1x32x8x128xf32, #tpu.memory_space<vmem>> -> memref<32x8x128xf32, #tpu.memory_space<vmem>>
    %dma_wait3A_1176 = arith.constant 0 : i32
    %dma_wait3A_1177 = arith.constant 0 : i32
    %dma_wait3A_1178 = tpu.memref_slice %arg5[%add3A_1168, %dma_wait3A_1176, %dma_wait3A_1177] : memref<8192x8x128xf32, #tpu.memory_space<hbm>> -> memref<32x8x128xf32, #tpu.memory_space<hbm>>
    %dma_wait3A_1179 = tpu.memref_slice %arg8[%dma_wait3A_1170] : memref<3x!tpu.dma_semaphore, #tpu.memory_space<semaphore_mem>> -> memref<1x!tpu.dma_semaphore, #tpu.memory_space<semaphore_mem>>
    %dma_wait3A_1180 = tpu.memref_squeeze %dma_wait3A_1179 : memref<1x!tpu.dma_semaphore, #tpu.memory_space<semaphore_mem>> -> memref<!tpu.dma_semaphore, #tpu.memory_space<semaphore_mem>>
    %dma_wait3A_1181 = arith.constant 0 : i32
    %dma_wait3A_1182 = arith.constant 0 : i32
    %dma_wait3A_1183 = tpu.memref_slice %arg5[%add3A_1168, %dma_wait3A_1181, %dma_wait3A_1182] : memref<8192x8x128xf32, #tpu.memory_space<hbm>> -> memref<32x8x128xf32, #tpu.memory_space<hbm>>
    %dma_wait3A_1184 = arith.constant 0 : i32
    %dma_wait3A_1185 = arith.constant 0 : i32
    %dma_wait3A_1186 = arith.constant 0 : i32
    %dma_wait3A_1187 = tpu.memref_slice %arg6[%dma_wait3A_1169, %dma_wait3A_1184, %dma_wait3A_1185, %dma_wait3A_1186] : memref<3x32x8x128xf32, #tpu.memory_space<vmem>> -> memref<1x32x8x128xf32, #tpu.memory_space<vmem>>
    %dma_wait3A_1188 = tpu.memref_squeeze %dma_wait3A_1187 : memref<1x32x8x128xf32, #tpu.memory_space<vmem>> -> memref<32x8x128xf32, #tpu.memory_space<vmem>>
    tpu.wait_dma2 semaphore(%dma_wait3A_1180 : memref<!tpu.dma_semaphore, #tpu.memory_space<semaphore_mem>>) src(%dma_wait3A_1188 : memref<32x8x128xf32, #tpu.memory_space<vmem>>) dst(%dma_wait3A_1183 : memref<32x8x128xf32, #tpu.memory_space<hbm>>)
    %add3A_1189 = arith.constant 224 : i32
    %add3A_1190 = arith.addi %mul3A_2, %add3A_1189 : i32
    %dma_start3A_1191 = arith.constant 0 : i32
    %dma_start3A_1192 = arith.constant 0 : i32
    %dma_start3A_1193 = arith.constant 0 : i32
    %dma_start3A_1194 = arith.constant 0 : i32
    %dma_start3A_1195 = arith.constant 0 : i32
    %dma_start3A_1196 = tpu.memref_slice %arg6[%dma_start3A_1191, %dma_start3A_1193, %dma_start3A_1194, %dma_start3A_1195] : memref<3x32x8x128xf32, #tpu.memory_space<vmem>> -> memref<1x32x8x128xf32, #tpu.memory_space<vmem>>
    %dma_start3A_1197 = tpu.memref_squeeze %dma_start3A_1196 : memref<1x32x8x128xf32, #tpu.memory_space<vmem>> -> memref<32x8x128xf32, #tpu.memory_space<vmem>>
    %dma_start3A_1198 = arith.constant 0 : i32
    %dma_start3A_1199 = arith.constant 0 : i32
    %dma_start3A_1200 = tpu.memref_slice %arg3[%add3A_1190, %dma_start3A_1198, %dma_start3A_1199] : memref<8192x8x128xf32, #tpu.memory_space<hbm>> -> memref<32x8x128xf32, #tpu.memory_space<hbm>>
    %dma_start3A_1201 = tpu.memref_slice %arg7[%dma_start3A_1192] : memref<3x!tpu.dma_semaphore, #tpu.memory_space<semaphore_mem>> -> memref<1x!tpu.dma_semaphore, #tpu.memory_space<semaphore_mem>>
    %dma_start3A_1202 = tpu.memref_squeeze %dma_start3A_1201 : memref<1x!tpu.dma_semaphore, #tpu.memory_space<semaphore_mem>> -> memref<!tpu.dma_semaphore, #tpu.memory_space<semaphore_mem>>
    %dma_start3A_1203 = arith.constant 0 : i32
    %dma_start3A_1204 = arith.constant 0 : i32
    %dma_start3A_1205 = arith.constant 0 : i32
    %dma_start3A_1206 = tpu.memref_slice %arg6[%dma_start3A_1191, %dma_start3A_1203, %dma_start3A_1204, %dma_start3A_1205] : memref<3x32x8x128xf32, #tpu.memory_space<vmem>> -> memref<1x32x8x128xf32, #tpu.memory_space<vmem>>
    %dma_start3A_1207 = tpu.memref_squeeze %dma_start3A_1206 : memref<1x32x8x128xf32, #tpu.memory_space<vmem>> -> memref<32x8x128xf32, #tpu.memory_space<vmem>>
    %dma_start3A_1208 = arith.constant 0 : i32
    %dma_start3A_1209 = arith.constant 0 : i32
    %dma_start3A_1210 = tpu.memref_slice %arg3[%add3A_1190, %dma_start3A_1208, %dma_start3A_1209] : memref<8192x8x128xf32, #tpu.memory_space<hbm>> -> memref<32x8x128xf32, #tpu.memory_space<hbm>>
    tpu.enqueue_dma source(%dma_start3A_1210 : memref<32x8x128xf32, #tpu.memory_space<hbm>>) target(%dma_start3A_1207 : memref<32x8x128xf32, #tpu.memory_space<vmem>>) target_semaphore(%dma_start3A_1202 : memref<!tpu.dma_semaphore, #tpu.memory_space<semaphore_mem>>)
    %add3A_1211 = arith.constant 160 : i32
    %add3A_1212 = arith.addi %mul3A_2, %add3A_1211 : i32
    %dma_wait3A_1213 = arith.constant 1 : i32
    %dma_wait3A_1214 = arith.constant 1 : i32
    %dma_wait3A_1215 = arith.constant 0 : i32
    %dma_wait3A_1216 = arith.constant 0 : i32
    %dma_wait3A_1217 = arith.constant 0 : i32
    %dma_wait3A_1218 = tpu.memref_slice %arg6[%dma_wait3A_1213, %dma_wait3A_1215, %dma_wait3A_1216, %dma_wait3A_1217] : memref<3x32x8x128xf32, #tpu.memory_space<vmem>> -> memref<1x32x8x128xf32, #tpu.memory_space<vmem>>
    %dma_wait3A_1219 = tpu.memref_squeeze %dma_wait3A_1218 : memref<1x32x8x128xf32, #tpu.memory_space<vmem>> -> memref<32x8x128xf32, #tpu.memory_space<vmem>>
    %dma_wait3A_1220 = arith.constant 0 : i32
    %dma_wait3A_1221 = arith.constant 0 : i32
    %dma_wait3A_1222 = tpu.memref_slice %arg3[%add3A_1212, %dma_wait3A_1220, %dma_wait3A_1221] : memref<8192x8x128xf32, #tpu.memory_space<hbm>> -> memref<32x8x128xf32, #tpu.memory_space<hbm>>
    %dma_wait3A_1223 = tpu.memref_slice %arg7[%dma_wait3A_1214] : memref<3x!tpu.dma_semaphore, #tpu.memory_space<semaphore_mem>> -> memref<1x!tpu.dma_semaphore, #tpu.memory_space<semaphore_mem>>
    %dma_wait3A_1224 = tpu.memref_squeeze %dma_wait3A_1223 : memref<1x!tpu.dma_semaphore, #tpu.memory_space<semaphore_mem>> -> memref<!tpu.dma_semaphore, #tpu.memory_space<semaphore_mem>>
    %dma_wait3A_1225 = arith.constant 0 : i32
    %dma_wait3A_1226 = arith.constant 0 : i32
    %dma_wait3A_1227 = arith.constant 0 : i32
    %dma_wait3A_1228 = tpu.memref_slice %arg6[%dma_wait3A_1213, %dma_wait3A_1225, %dma_wait3A_1226, %dma_wait3A_1227] : memref<3x32x8x128xf32, #tpu.memory_space<vmem>> -> memref<1x32x8x128xf32, #tpu.memory_space<vmem>>
    %dma_wait3A_1229 = tpu.memref_squeeze %dma_wait3A_1228 : memref<1x32x8x128xf32, #tpu.memory_space<vmem>> -> memref<32x8x128xf32, #tpu.memory_space<vmem>>
    %dma_wait3A_1230 = arith.constant 0 : i32
    %dma_wait3A_1231 = arith.constant 0 : i32
    %dma_wait3A_1232 = tpu.memref_slice %arg3[%add3A_1212, %dma_wait3A_1230, %dma_wait3A_1231] : memref<8192x8x128xf32, #tpu.memory_space<hbm>> -> memref<32x8x128xf32, #tpu.memory_space<hbm>>
    tpu.wait_dma2 semaphore(%dma_wait3A_1224 : memref<!tpu.dma_semaphore, #tpu.memory_space<semaphore_mem>>) src(%dma_wait3A_1232 : memref<32x8x128xf32, #tpu.memory_space<hbm>>) dst(%dma_wait3A_1229 : memref<32x8x128xf32, #tpu.memory_space<vmem>>)
    %add3A_1233 = arith.constant 160 : i32
    %add3A_1234 = arith.addi %mul3A_2, %add3A_1233 : i32
    %dma_start3A_1235 = arith.constant 1 : i32
    %dma_start3A_1236 = arith.constant 1 : i32
    %dma_start3A_1237 = arith.constant 0 : i32
    %dma_start3A_1238 = arith.constant 0 : i32
    %dma_start3A_1239 = arith.constant 0 : i32
    %dma_start3A_1240 = tpu.memref_slice %arg6[%dma_start3A_1235, %dma_start3A_1237, %dma_start3A_1238, %dma_start3A_1239] : memref<3x32x8x128xf32, #tpu.memory_space<vmem>> -> memref<1x32x8x128xf32, #tpu.memory_space<vmem>>
    %dma_start3A_1241 = tpu.memref_squeeze %dma_start3A_1240 : memref<1x32x8x128xf32, #tpu.memory_space<vmem>> -> memref<32x8x128xf32, #tpu.memory_space<vmem>>
    %dma_start3A_1242 = arith.constant 0 : i32
    %dma_start3A_1243 = arith.constant 0 : i32
    %dma_start3A_1244 = tpu.memref_slice %arg5[%add3A_1234, %dma_start3A_1242, %dma_start3A_1243] : memref<8192x8x128xf32, #tpu.memory_space<hbm>> -> memref<32x8x128xf32, #tpu.memory_space<hbm>>
    %dma_start3A_1245 = tpu.memref_slice %arg8[%dma_start3A_1236] : memref<3x!tpu.dma_semaphore, #tpu.memory_space<semaphore_mem>> -> memref<1x!tpu.dma_semaphore, #tpu.memory_space<semaphore_mem>>
    %dma_start3A_1246 = tpu.memref_squeeze %dma_start3A_1245 : memref<1x!tpu.dma_semaphore, #tpu.memory_space<semaphore_mem>> -> memref<!tpu.dma_semaphore, #tpu.memory_space<semaphore_mem>>
    %dma_start3A_1247 = arith.constant 0 : i32
    %dma_start3A_1248 = arith.constant 0 : i32
    %dma_start3A_1249 = tpu.memref_slice %arg5[%add3A_1234, %dma_start3A_1247, %dma_start3A_1248] : memref<8192x8x128xf32, #tpu.memory_space<hbm>> -> memref<32x8x128xf32, #tpu.memory_space<hbm>>
    %dma_start3A_1250 = arith.constant 0 : i32
    %dma_start3A_1251 = arith.constant 0 : i32
    %dma_start3A_1252 = arith.constant 0 : i32
    %dma_start3A_1253 = tpu.memref_slice %arg6[%dma_start3A_1235, %dma_start3A_1250, %dma_start3A_1251, %dma_start3A_1252] : memref<3x32x8x128xf32, #tpu.memory_space<vmem>> -> memref<1x32x8x128xf32, #tpu.memory_space<vmem>>
    %dma_start3A_1254 = tpu.memref_squeeze %dma_start3A_1253 : memref<1x32x8x128xf32, #tpu.memory_space<vmem>> -> memref<32x8x128xf32, #tpu.memory_space<vmem>>
    tpu.enqueue_dma source(%dma_start3A_1254 : memref<32x8x128xf32, #tpu.memory_space<vmem>>) target(%dma_start3A_1249 : memref<32x8x128xf32, #tpu.memory_space<hbm>>) target_semaphore(%dma_start3A_1246 : memref<!tpu.dma_semaphore, #tpu.memory_space<semaphore_mem>>)
    %add3A_1255 = arith.constant 192 : i32
    %add3A_1256 = arith.addi %mul3A_2, %add3A_1255 : i32
    %dma_wait3A_1257 = arith.constant 2 : i32
    %dma_wait3A_1258 = arith.constant 2 : i32
    %dma_wait3A_1259 = arith.constant 0 : i32
    %dma_wait3A_1260 = arith.constant 0 : i32
    %dma_wait3A_1261 = arith.constant 0 : i32
    %dma_wait3A_1262 = tpu.memref_slice %arg6[%dma_wait3A_1257, %dma_wait3A_1259, %dma_wait3A_1260, %dma_wait3A_1261] : memref<3x32x8x128xf32, #tpu.memory_space<vmem>> -> memref<1x32x8x128xf32, #tpu.memory_space<vmem>>
    %dma_wait3A_1263 = tpu.memref_squeeze %dma_wait3A_1262 : memref<1x32x8x128xf32, #tpu.memory_space<vmem>> -> memref<32x8x128xf32, #tpu.memory_space<vmem>>
    %dma_wait3A_1264 = arith.constant 0 : i32
    %dma_wait3A_1265 = arith.constant 0 : i32
    %dma_wait3A_1266 = tpu.memref_slice %arg3[%add3A_1256, %dma_wait3A_1264, %dma_wait3A_1265] : memref<8192x8x128xf32, #tpu.memory_space<hbm>> -> memref<32x8x128xf32, #tpu.memory_space<hbm>>
    %dma_wait3A_1267 = tpu.memref_slice %arg7[%dma_wait3A_1258] : memref<3x!tpu.dma_semaphore, #tpu.memory_space<semaphore_mem>> -> memref<1x!tpu.dma_semaphore, #tpu.memory_space<semaphore_mem>>
    %dma_wait3A_1268 = tpu.memref_squeeze %dma_wait3A_1267 : memref<1x!tpu.dma_semaphore, #tpu.memory_space<semaphore_mem>> -> memref<!tpu.dma_semaphore, #tpu.memory_space<semaphore_mem>>
    %dma_wait3A_1269 = arith.constant 0 : i32
    %dma_wait3A_1270 = arith.constant 0 : i32
    %dma_wait3A_1271 = arith.constant 0 : i32
    %dma_wait3A_1272 = tpu.memref_slice %arg6[%dma_wait3A_1257, %dma_wait3A_1269, %dma_wait3A_1270, %dma_wait3A_1271] : memref<3x32x8x128xf32, #tpu.memory_space<vmem>> -> memref<1x32x8x128xf32, #tpu.memory_space<vmem>>
    %dma_wait3A_1273 = tpu.memref_squeeze %dma_wait3A_1272 : memref<1x32x8x128xf32, #tpu.memory_space<vmem>> -> memref<32x8x128xf32, #tpu.memory_space<vmem>>
    %dma_wait3A_1274 = arith.constant 0 : i32
    %dma_wait3A_1275 = arith.constant 0 : i32
    %dma_wait3A_1276 = tpu.memref_slice %arg3[%add3A_1256, %dma_wait3A_1274, %dma_wait3A_1275] : memref<8192x8x128xf32, #tpu.memory_space<hbm>> -> memref<32x8x128xf32, #tpu.memory_space<hbm>>
    tpu.wait_dma2 semaphore(%dma_wait3A_1268 : memref<!tpu.dma_semaphore, #tpu.memory_space<semaphore_mem>>) src(%dma_wait3A_1276 : memref<32x8x128xf32, #tpu.memory_space<hbm>>) dst(%dma_wait3A_1273 : memref<32x8x128xf32, #tpu.memory_space<vmem>>)
    %add3A_1277 = arith.constant 192 : i32
    %add3A_1278 = arith.addi %mul3A_2, %add3A_1277 : i32
    %dma_start3A_1279 = arith.constant 2 : i32
    %dma_start3A_1280 = arith.constant 2 : i32
    %dma_start3A_1281 = arith.constant 0 : i32
    %dma_start3A_1282 = arith.constant 0 : i32
    %dma_start3A_1283 = arith.constant 0 : i32
    %dma_start3A_1284 = tpu.memref_slice %arg6[%dma_start3A_1279, %dma_start3A_1281, %dma_start3A_1282, %dma_start3A_1283] : memref<3x32x8x128xf32, #tpu.memory_space<vmem>> -> memref<1x32x8x128xf32, #tpu.memory_space<vmem>>
    %dma_start3A_1285 = tpu.memref_squeeze %dma_start3A_1284 : memref<1x32x8x128xf32, #tpu.memory_space<vmem>> -> memref<32x8x128xf32, #tpu.memory_space<vmem>>
    %dma_start3A_1286 = arith.constant 0 : i32
    %dma_start3A_1287 = arith.constant 0 : i32
    %dma_start3A_1288 = tpu.memref_slice %arg5[%add3A_1278, %dma_start3A_1286, %dma_start3A_1287] : memref<8192x8x128xf32, #tpu.memory_space<hbm>> -> memref<32x8x128xf32, #tpu.memory_space<hbm>>
    %dma_start3A_1289 = tpu.memref_slice %arg8[%dma_start3A_1280] : memref<3x!tpu.dma_semaphore, #tpu.memory_space<semaphore_mem>> -> memref<1x!tpu.dma_semaphore, #tpu.memory_space<semaphore_mem>>
    %dma_start3A_1290 = tpu.memref_squeeze %dma_start3A_1289 : memref<1x!tpu.dma_semaphore, #tpu.memory_space<semaphore_mem>> -> memref<!tpu.dma_semaphore, #tpu.memory_space<semaphore_mem>>
    %dma_start3A_1291 = arith.constant 0 : i32
    %dma_start3A_1292 = arith.constant 0 : i32
    %dma_start3A_1293 = tpu.memref_slice %arg5[%add3A_1278, %dma_start3A_1291, %dma_start3A_1292] : memref<8192x8x128xf32, #tpu.memory_space<hbm>> -> memref<32x8x128xf32, #tpu.memory_space<hbm>>
    %dma_start3A_1294 = arith.constant 0 : i32
    %dma_start3A_1295 = arith.constant 0 : i32
    %dma_start3A_1296 = arith.constant 0 : i32
    %dma_start3A_1297 = tpu.memref_slice %arg6[%dma_start3A_1279, %dma_start3A_1294, %dma_start3A_1295, %dma_start3A_1296] : memref<3x32x8x128xf32, #tpu.memory_space<vmem>> -> memref<1x32x8x128xf32, #tpu.memory_space<vmem>>
    %dma_start3A_1298 = tpu.memref_squeeze %dma_start3A_1297 : memref<1x32x8x128xf32, #tpu.memory_space<vmem>> -> memref<32x8x128xf32, #tpu.memory_space<vmem>>
    tpu.enqueue_dma source(%dma_start3A_1298 : memref<32x8x128xf32, #tpu.memory_space<vmem>>) target(%dma_start3A_1293 : memref<32x8x128xf32, #tpu.memory_space<hbm>>) target_semaphore(%dma_start3A_1290 : memref<!tpu.dma_semaphore, #tpu.memory_space<semaphore_mem>>)
    %add3A_1299 = arith.constant 224 : i32
    %add3A_1300 = arith.addi %mul3A_2, %add3A_1299 : i32
    %dma_wait3A_1301 = arith.constant 0 : i32
    %dma_wait3A_1302 = arith.constant 0 : i32
    %dma_wait3A_1303 = arith.constant 0 : i32
    %dma_wait3A_1304 = arith.constant 0 : i32
    %dma_wait3A_1305 = arith.constant 0 : i32
    %dma_wait3A_1306 = tpu.memref_slice %arg6[%dma_wait3A_1301, %dma_wait3A_1303, %dma_wait3A_1304, %dma_wait3A_1305] : memref<3x32x8x128xf32, #tpu.memory_space<vmem>> -> memref<1x32x8x128xf32, #tpu.memory_space<vmem>>
    %dma_wait3A_1307 = tpu.memref_squeeze %dma_wait3A_1306 : memref<1x32x8x128xf32, #tpu.memory_space<vmem>> -> memref<32x8x128xf32, #tpu.memory_space<vmem>>
    %dma_wait3A_1308 = arith.constant 0 : i32
    %dma_wait3A_1309 = arith.constant 0 : i32
    %dma_wait3A_1310 = tpu.memref_slice %arg3[%add3A_1300, %dma_wait3A_1308, %dma_wait3A_1309] : memref<8192x8x128xf32, #tpu.memory_space<hbm>> -> memref<32x8x128xf32, #tpu.memory_space<hbm>>
    %dma_wait3A_1311 = tpu.memref_slice %arg7[%dma_wait3A_1302] : memref<3x!tpu.dma_semaphore, #tpu.memory_space<semaphore_mem>> -> memref<1x!tpu.dma_semaphore, #tpu.memory_space<semaphore_mem>>
    %dma_wait3A_1312 = tpu.memref_squeeze %dma_wait3A_1311 : memref<1x!tpu.dma_semaphore, #tpu.memory_space<semaphore_mem>> -> memref<!tpu.dma_semaphore, #tpu.memory_space<semaphore_mem>>
    %dma_wait3A_1313 = arith.constant 0 : i32
    %dma_wait3A_1314 = arith.constant 0 : i32
    %dma_wait3A_1315 = arith.constant 0 : i32
    %dma_wait3A_1316 = tpu.memref_slice %arg6[%dma_wait3A_1301, %dma_wait3A_1313, %dma_wait3A_1314, %dma_wait3A_1315] : memref<3x32x8x128xf32, #tpu.memory_space<vmem>> -> memref<1x32x8x128xf32, #tpu.memory_space<vmem>>
    %dma_wait3A_1317 = tpu.memref_squeeze %dma_wait3A_1316 : memref<1x32x8x128xf32, #tpu.memory_space<vmem>> -> memref<32x8x128xf32, #tpu.memory_space<vmem>>
    %dma_wait3A_1318 = arith.constant 0 : i32
    %dma_wait3A_1319 = arith.constant 0 : i32
    %dma_wait3A_1320 = tpu.memref_slice %arg3[%add3A_1300, %dma_wait3A_1318, %dma_wait3A_1319] : memref<8192x8x128xf32, #tpu.memory_space<hbm>> -> memref<32x8x128xf32, #tpu.memory_space<hbm>>
    tpu.wait_dma2 semaphore(%dma_wait3A_1312 : memref<!tpu.dma_semaphore, #tpu.memory_space<semaphore_mem>>) src(%dma_wait3A_1320 : memref<32x8x128xf32, #tpu.memory_space<hbm>>) dst(%dma_wait3A_1317 : memref<32x8x128xf32, #tpu.memory_space<vmem>>)
    %add3A_1321 = arith.constant 224 : i32
    %add3A_1322 = arith.addi %mul3A_2, %add3A_1321 : i32
    %dma_start3A_1323 = arith.constant 0 : i32
    %dma_start3A_1324 = arith.constant 0 : i32
    %dma_start3A_1325 = arith.constant 0 : i32
    %dma_start3A_1326 = arith.constant 0 : i32
    %dma_start3A_1327 = arith.constant 0 : i32
    %dma_start3A_1328 = tpu.memref_slice %arg6[%dma_start3A_1323, %dma_start3A_1325, %dma_start3A_1326, %dma_start3A_1327] : memref<3x32x8x128xf32, #tpu.memory_space<vmem>> -> memref<1x32x8x128xf32, #tpu.memory_space<vmem>>
    %dma_start3A_1329 = tpu.memref_squeeze %dma_start3A_1328 : memref<1x32x8x128xf32, #tpu.memory_space<vmem>> -> memref<32x8x128xf32, #tpu.memory_space<vmem>>
    %dma_start3A_1330 = arith.constant 0 : i32
    %dma_start3A_1331 = arith.constant 0 : i32
    %dma_start3A_1332 = tpu.memref_slice %arg5[%add3A_1322, %dma_start3A_1330, %dma_start3A_1331] : memref<8192x8x128xf32, #tpu.memory_space<hbm>> -> memref<32x8x128xf32, #tpu.memory_space<hbm>>
    %dma_start3A_1333 = tpu.memref_slice %arg8[%dma_start3A_1324] : memref<3x!tpu.dma_semaphore, #tpu.memory_space<semaphore_mem>> -> memref<1x!tpu.dma_semaphore, #tpu.memory_space<semaphore_mem>>
    %dma_start3A_1334 = tpu.memref_squeeze %dma_start3A_1333 : memref<1x!tpu.dma_semaphore, #tpu.memory_space<semaphore_mem>> -> memref<!tpu.dma_semaphore, #tpu.memory_space<semaphore_mem>>
    %dma_start3A_1335 = arith.constant 0 : i32
    %dma_start3A_1336 = arith.constant 0 : i32
    %dma_start3A_1337 = tpu.memref_slice %arg5[%add3A_1322, %dma_start3A_1335, %dma_start3A_1336] : memref<8192x8x128xf32, #tpu.memory_space<hbm>> -> memref<32x8x128xf32, #tpu.memory_space<hbm>>
    %dma_start3A_1338 = arith.constant 0 : i32
    %dma_start3A_1339 = arith.constant 0 : i32
    %dma_start3A_1340 = arith.constant 0 : i32
    %dma_start3A_1341 = tpu.memref_slice %arg6[%dma_start3A_1323, %dma_start3A_1338, %dma_start3A_1339, %dma_start3A_1340] : memref<3x32x8x128xf32, #tpu.memory_space<vmem>> -> memref<1x32x8x128xf32, #tpu.memory_space<vmem>>
    %dma_start3A_1342 = tpu.memref_squeeze %dma_start3A_1341 : memref<1x32x8x128xf32, #tpu.memory_space<vmem>> -> memref<32x8x128xf32, #tpu.memory_space<vmem>>
    tpu.enqueue_dma source(%dma_start3A_1342 : memref<32x8x128xf32, #tpu.memory_space<vmem>>) target(%dma_start3A_1337 : memref<32x8x128xf32, #tpu.memory_space<hbm>>) target_semaphore(%dma_start3A_1334 : memref<!tpu.dma_semaphore, #tpu.memory_space<semaphore_mem>>)
    %add3A_1343 = arith.constant 160 : i32
    %add3A_1344 = arith.addi %mul3A_2, %add3A_1343 : i32
    %dma_wait3A_1345 = arith.constant 1 : i32
    %dma_wait3A_1346 = arith.constant 1 : i32
    %dma_wait3A_1347 = arith.constant 0 : i32
    %dma_wait3A_1348 = arith.constant 0 : i32
    %dma_wait3A_1349 = arith.constant 0 : i32
    %dma_wait3A_1350 = tpu.memref_slice %arg6[%dma_wait3A_1345, %dma_wait3A_1347, %dma_wait3A_1348, %dma_wait3A_1349] : memref<3x32x8x128xf32, #tpu.memory_space<vmem>> -> memref<1x32x8x128xf32, #tpu.memory_space<vmem>>
    %dma_wait3A_1351 = tpu.memref_squeeze %dma_wait3A_1350 : memref<1x32x8x128xf32, #tpu.memory_space<vmem>> -> memref<32x8x128xf32, #tpu.memory_space<vmem>>
    %dma_wait3A_1352 = arith.constant 0 : i32
    %dma_wait3A_1353 = arith.constant 0 : i32
    %dma_wait3A_1354 = tpu.memref_slice %arg5[%add3A_1344, %dma_wait3A_1352, %dma_wait3A_1353] : memref<8192x8x128xf32, #tpu.memory_space<hbm>> -> memref<32x8x128xf32, #tpu.memory_space<hbm>>
    %dma_wait3A_1355 = tpu.memref_slice %arg8[%dma_wait3A_1346] : memref<3x!tpu.dma_semaphore, #tpu.memory_space<semaphore_mem>> -> memref<1x!tpu.dma_semaphore, #tpu.memory_space<semaphore_mem>>
    %dma_wait3A_1356 = tpu.memref_squeeze %dma_wait3A_1355 : memref<1x!tpu.dma_semaphore, #tpu.memory_space<semaphore_mem>> -> memref<!tpu.dma_semaphore, #tpu.memory_space<semaphore_mem>>
    %dma_wait3A_1357 = arith.constant 0 : i32
    %dma_wait3A_1358 = arith.constant 0 : i32
    %dma_wait3A_1359 = tpu.memref_slice %arg5[%add3A_1344, %dma_wait3A_1357, %dma_wait3A_1358] : memref<8192x8x128xf32, #tpu.memory_space<hbm>> -> memref<32x8x128xf32, #tpu.memory_space<hbm>>
    %dma_wait3A_1360 = arith.constant 0 : i32
    %dma_wait3A_1361 = arith.constant 0 : i32
    %dma_wait3A_1362 = arith.constant 0 : i32
    %dma_wait3A_1363 = tpu.memref_slice %arg6[%dma_wait3A_1345, %dma_wait3A_1360, %dma_wait3A_1361, %dma_wait3A_1362] : memref<3x32x8x128xf32, #tpu.memory_space<vmem>> -> memref<1x32x8x128xf32, #tpu.memory_space<vmem>>
    %dma_wait3A_1364 = tpu.memref_squeeze %dma_wait3A_1363 : memref<1x32x8x128xf32, #tpu.memory_space<vmem>> -> memref<32x8x128xf32, #tpu.memory_space<vmem>>
    tpu.wait_dma2 semaphore(%dma_wait3A_1356 : memref<!tpu.dma_semaphore, #tpu.memory_space<semaphore_mem>>) src(%dma_wait3A_1364 : memref<32x8x128xf32, #tpu.memory_space<vmem>>) dst(%dma_wait3A_1359 : memref<32x8x128xf32, #tpu.memory_space<hbm>>)
    %add3A_1365 = arith.constant 192 : i32
    %add3A_1366 = arith.addi %mul3A_2, %add3A_1365 : i32
    %dma_wait3A_1367 = arith.constant 2 : i32
    %dma_wait3A_1368 = arith.constant 2 : i32
    %dma_wait3A_1369 = arith.constant 0 : i32
    %dma_wait3A_1370 = arith.constant 0 : i32
    %dma_wait3A_1371 = arith.constant 0 : i32
    %dma_wait3A_1372 = tpu.memref_slice %arg6[%dma_wait3A_1367, %dma_wait3A_1369, %dma_wait3A_1370, %dma_wait3A_1371] : memref<3x32x8x128xf32, #tpu.memory_space<vmem>> -> memref<1x32x8x128xf32, #tpu.memory_space<vmem>>
    %dma_wait3A_1373 = tpu.memref_squeeze %dma_wait3A_1372 : memref<1x32x8x128xf32, #tpu.memory_space<vmem>> -> memref<32x8x128xf32, #tpu.memory_space<vmem>>
    %dma_wait3A_1374 = arith.constant 0 : i32
    %dma_wait3A_1375 = arith.constant 0 : i32
    %dma_wait3A_1376 = tpu.memref_slice %arg5[%add3A_1366, %dma_wait3A_1374, %dma_wait3A_1375] : memref<8192x8x128xf32, #tpu.memory_space<hbm>> -> memref<32x8x128xf32, #tpu.memory_space<hbm>>
    %dma_wait3A_1377 = tpu.memref_slice %arg8[%dma_wait3A_1368] : memref<3x!tpu.dma_semaphore, #tpu.memory_space<semaphore_mem>> -> memref<1x!tpu.dma_semaphore, #tpu.memory_space<semaphore_mem>>
    %dma_wait3A_1378 = tpu.memref_squeeze %dma_wait3A_1377 : memref<1x!tpu.dma_semaphore, #tpu.memory_space<semaphore_mem>> -> memref<!tpu.dma_semaphore, #tpu.memory_space<semaphore_mem>>
    %dma_wait3A_1379 = arith.constant 0 : i32
    %dma_wait3A_1380 = arith.constant 0 : i32
    %dma_wait3A_1381 = tpu.memref_slice %arg5[%add3A_1366, %dma_wait3A_1379, %dma_wait3A_1380] : memref<8192x8x128xf32, #tpu.memory_space<hbm>> -> memref<32x8x128xf32, #tpu.memory_space<hbm>>
    %dma_wait3A_1382 = arith.constant 0 : i32
    %dma_wait3A_1383 = arith.constant 0 : i32
    %dma_wait3A_1384 = arith.constant 0 : i32
    %dma_wait3A_1385 = tpu.memref_slice %arg6[%dma_wait3A_1367, %dma_wait3A_1382, %dma_wait3A_1383, %dma_wait3A_1384] : memref<3x32x8x128xf32, #tpu.memory_space<vmem>> -> memref<1x32x8x128xf32, #tpu.memory_space<vmem>>
    %dma_wait3A_1386 = tpu.memref_squeeze %dma_wait3A_1385 : memref<1x32x8x128xf32, #tpu.memory_space<vmem>> -> memref<32x8x128xf32, #tpu.memory_space<vmem>>
    tpu.wait_dma2 semaphore(%dma_wait3A_1378 : memref<!tpu.dma_semaphore, #tpu.memory_space<semaphore_mem>>) src(%dma_wait3A_1386 : memref<32x8x128xf32, #tpu.memory_space<vmem>>) dst(%dma_wait3A_1381 : memref<32x8x128xf32, #tpu.memory_space<hbm>>)
    %add3A_1387 = arith.constant 224 : i32
    %add3A_1388 = arith.addi %mul3A_2, %add3A_1387 : i32
    %dma_wait3A_1389 = arith.constant 0 : i32
    %dma_wait3A_1390 = arith.constant 0 : i32
    %dma_wait3A_1391 = arith.constant 0 : i32
    %dma_wait3A_1392 = arith.constant 0 : i32
    %dma_wait3A_1393 = arith.constant 0 : i32
    %dma_wait3A_1394 = tpu.memref_slice %arg6[%dma_wait3A_1389, %dma_wait3A_1391, %dma_wait3A_1392, %dma_wait3A_1393] : memref<3x32x8x128xf32, #tpu.memory_space<vmem>> -> memref<1x32x8x128xf32, #tpu.memory_space<vmem>>
    %dma_wait3A_1395 = tpu.memref_squeeze %dma_wait3A_1394 : memref<1x32x8x128xf32, #tpu.memory_space<vmem>> -> memref<32x8x128xf32, #tpu.memory_space<vmem>>
    %dma_wait3A_1396 = arith.constant 0 : i32
    %dma_wait3A_1397 = arith.constant 0 : i32
    %dma_wait3A_1398 = tpu.memref_slice %arg5[%add3A_1388, %dma_wait3A_1396, %dma_wait3A_1397] : memref<8192x8x128xf32, #tpu.memory_space<hbm>> -> memref<32x8x128xf32, #tpu.memory_space<hbm>>
    %dma_wait3A_1399 = tpu.memref_slice %arg8[%dma_wait3A_1390] : memref<3x!tpu.dma_semaphore, #tpu.memory_space<semaphore_mem>> -> memref<1x!tpu.dma_semaphore, #tpu.memory_space<semaphore_mem>>
    %dma_wait3A_1400 = tpu.memref_squeeze %dma_wait3A_1399 : memref<1x!tpu.dma_semaphore, #tpu.memory_space<semaphore_mem>> -> memref<!tpu.dma_semaphore, #tpu.memory_space<semaphore_mem>>
    %dma_wait3A_1401 = arith.constant 0 : i32
    %dma_wait3A_1402 = arith.constant 0 : i32
    %dma_wait3A_1403 = tpu.memref_slice %arg5[%add3A_1388, %dma_wait3A_1401, %dma_wait3A_1402] : memref<8192x8x128xf32, #tpu.memory_space<hbm>> -> memref<32x8x128xf32, #tpu.memory_space<hbm>>
    %dma_wait3A_1404 = arith.constant 0 : i32
    %dma_wait3A_1405 = arith.constant 0 : i32
    %dma_wait3A_1406 = arith.constant 0 : i32
    %dma_wait3A_1407 = tpu.memref_slice %arg6[%dma_wait3A_1389, %dma_wait3A_1404, %dma_wait3A_1405, %dma_wait3A_1406] : memref<3x32x8x128xf32, #tpu.memory_space<vmem>> -> memref<1x32x8x128xf32, #tpu.memory_space<vmem>>
    %dma_wait3A_1408 = tpu.memref_squeeze %dma_wait3A_1407 : memref<1x32x8x128xf32, #tpu.memory_space<vmem>> -> memref<32x8x128xf32, #tpu.memory_space<vmem>>
    tpu.wait_dma2 semaphore(%dma_wait3A_1400 : memref<!tpu.dma_semaphore, #tpu.memory_space<semaphore_mem>>) src(%dma_wait3A_1408 : memref<32x8x128xf32, #tpu.memory_space<vmem>>) dst(%dma_wait3A_1403 : memref<32x8x128xf32, #tpu.memory_space<hbm>>)
    return
  }
}

module attributes {stable_mosaic.version = 14 : i64} {
  func.func @_tc_slab_update(%arg0: memref<1xi32, #tpu.memory_space<smem>>, %arg1: memref<8192x8x128xf32, #tpu.memory_space<hbm>>, %arg2: memref<8192x8x128xf32, #tpu.memory_space<hbm>>, %arg3: memref<32x8x128xf32, #tpu.memory_space<hbm>>, %arg4: memref<32x8x128xf32, #tpu.memory_space<hbm>>, %arg5: memref<8192x8x128xf32, #tpu.memory_space<hbm>>, %arg6: memref<8192x8x128xf32, #tpu.memory_space<hbm>>, %arg7: memref<32x8x128xf32, #tpu.memory_space<vmem>>, %arg8: memref<32x8x128xf32, #tpu.memory_space<vmem>>, %arg9: memref<4x!tpu.dma_semaphore, #tpu.memory_space<semaphore_mem>>) attributes {dimension_semantics = [], scalar_prefetch = 0 : i64, scratch_operands = 3 : i64, tpu.core_type = #tpu.core_type<tc>} {
    %get3A = arith.constant 0 : index
    %get3A_0 = memref.load %arg0[%get3A] : memref<1xi32, #tpu.memory_space<smem>>
    %jit3A = arith.constant 0 : i32
    %jit3A_1 = arith.constant 8160 : i32
    %max3A = arith.maxsi %jit3A, %get3A_0 : i32
    %min3A = arith.minsi %jit3A_1, %max3A : i32
    %multiple_of3A = tpu.assume_multiple %min3A, 8 : i32
    %dma_start3A = arith.constant 0 : i32
    %dma_start3A_2 = tpu.memref_slice %arg9[%dma_start3A] : memref<4x!tpu.dma_semaphore, #tpu.memory_space<semaphore_mem>> -> memref<1x!tpu.dma_semaphore, #tpu.memory_space<semaphore_mem>>
    %dma_start3A_3 = tpu.memref_squeeze %dma_start3A_2 : memref<1x!tpu.dma_semaphore, #tpu.memory_space<semaphore_mem>> -> memref<!tpu.dma_semaphore, #tpu.memory_space<semaphore_mem>>
    tpu.enqueue_dma source(%arg3 : memref<32x8x128xf32, #tpu.memory_space<hbm>>) target(%arg7 : memref<32x8x128xf32, #tpu.memory_space<vmem>>) target_semaphore(%dma_start3A_3 : memref<!tpu.dma_semaphore, #tpu.memory_space<semaphore_mem>>)
    %dma_start3A_4 = arith.constant 1 : i32
    %dma_start3A_5 = tpu.memref_slice %arg9[%dma_start3A_4] : memref<4x!tpu.dma_semaphore, #tpu.memory_space<semaphore_mem>> -> memref<1x!tpu.dma_semaphore, #tpu.memory_space<semaphore_mem>>
    %dma_start3A_6 = tpu.memref_squeeze %dma_start3A_5 : memref<1x!tpu.dma_semaphore, #tpu.memory_space<semaphore_mem>> -> memref<!tpu.dma_semaphore, #tpu.memory_space<semaphore_mem>>
    tpu.enqueue_dma source(%arg4 : memref<32x8x128xf32, #tpu.memory_space<hbm>>) target(%arg8 : memref<32x8x128xf32, #tpu.memory_space<vmem>>) target_semaphore(%dma_start3A_6 : memref<!tpu.dma_semaphore, #tpu.memory_space<semaphore_mem>>)
    %dma_wait3A = arith.constant 0 : i32
    %dma_wait3A_7 = tpu.memref_slice %arg9[%dma_wait3A] : memref<4x!tpu.dma_semaphore, #tpu.memory_space<semaphore_mem>> -> memref<1x!tpu.dma_semaphore, #tpu.memory_space<semaphore_mem>>
    %dma_wait3A_8 = tpu.memref_squeeze %dma_wait3A_7 : memref<1x!tpu.dma_semaphore, #tpu.memory_space<semaphore_mem>> -> memref<!tpu.dma_semaphore, #tpu.memory_space<semaphore_mem>>
    tpu.wait_dma2 semaphore(%dma_wait3A_8 : memref<!tpu.dma_semaphore, #tpu.memory_space<semaphore_mem>>) src(%arg3 : memref<32x8x128xf32, #tpu.memory_space<hbm>>) dst(%arg7 : memref<32x8x128xf32, #tpu.memory_space<vmem>>)
    %dma_wait3A_9 = arith.constant 1 : i32
    %dma_wait3A_10 = tpu.memref_slice %arg9[%dma_wait3A_9] : memref<4x!tpu.dma_semaphore, #tpu.memory_space<semaphore_mem>> -> memref<1x!tpu.dma_semaphore, #tpu.memory_space<semaphore_mem>>
    %dma_wait3A_11 = tpu.memref_squeeze %dma_wait3A_10 : memref<1x!tpu.dma_semaphore, #tpu.memory_space<semaphore_mem>> -> memref<!tpu.dma_semaphore, #tpu.memory_space<semaphore_mem>>
    tpu.wait_dma2 semaphore(%dma_wait3A_11 : memref<!tpu.dma_semaphore, #tpu.memory_space<semaphore_mem>>) src(%arg4 : memref<32x8x128xf32, #tpu.memory_space<hbm>>) dst(%arg8 : memref<32x8x128xf32, #tpu.memory_space<vmem>>)
    %dma_start3A_12 = arith.constant 2 : i32
    %dma_start3A_13 = tpu.memref_slice %arg9[%dma_start3A_12] : memref<4x!tpu.dma_semaphore, #tpu.memory_space<semaphore_mem>> -> memref<1x!tpu.dma_semaphore, #tpu.memory_space<semaphore_mem>>
    %dma_start3A_14 = tpu.memref_squeeze %dma_start3A_13 : memref<1x!tpu.dma_semaphore, #tpu.memory_space<semaphore_mem>> -> memref<!tpu.dma_semaphore, #tpu.memory_space<semaphore_mem>>
    %dma_start3A_15 = arith.constant 0 : i32
    %dma_start3A_16 = arith.constant 0 : i32
    %dma_start3A_17 = tpu.memref_slice %arg5[%multiple_of3A, %dma_start3A_15, %dma_start3A_16] : memref<8192x8x128xf32, #tpu.memory_space<hbm>> -> memref<32x8x128xf32, #tpu.memory_space<hbm>>
    tpu.enqueue_dma source(%arg7 : memref<32x8x128xf32, #tpu.memory_space<vmem>>) target(%dma_start3A_17 : memref<32x8x128xf32, #tpu.memory_space<hbm>>) target_semaphore(%dma_start3A_14 : memref<!tpu.dma_semaphore, #tpu.memory_space<semaphore_mem>>)
    %dma_start3A_18 = arith.constant 3 : i32
    %dma_start3A_19 = tpu.memref_slice %arg9[%dma_start3A_18] : memref<4x!tpu.dma_semaphore, #tpu.memory_space<semaphore_mem>> -> memref<1x!tpu.dma_semaphore, #tpu.memory_space<semaphore_mem>>
    %dma_start3A_20 = tpu.memref_squeeze %dma_start3A_19 : memref<1x!tpu.dma_semaphore, #tpu.memory_space<semaphore_mem>> -> memref<!tpu.dma_semaphore, #tpu.memory_space<semaphore_mem>>
    %dma_start3A_21 = arith.constant 0 : i32
    %dma_start3A_22 = arith.constant 0 : i32
    %dma_start3A_23 = tpu.memref_slice %arg6[%multiple_of3A, %dma_start3A_21, %dma_start3A_22] : memref<8192x8x128xf32, #tpu.memory_space<hbm>> -> memref<32x8x128xf32, #tpu.memory_space<hbm>>
    tpu.enqueue_dma source(%arg8 : memref<32x8x128xf32, #tpu.memory_space<vmem>>) target(%dma_start3A_23 : memref<32x8x128xf32, #tpu.memory_space<hbm>>) target_semaphore(%dma_start3A_20 : memref<!tpu.dma_semaphore, #tpu.memory_space<semaphore_mem>>)
    %dma_wait3A_24 = arith.constant 2 : i32
    %dma_wait3A_25 = tpu.memref_slice %arg9[%dma_wait3A_24] : memref<4x!tpu.dma_semaphore, #tpu.memory_space<semaphore_mem>> -> memref<1x!tpu.dma_semaphore, #tpu.memory_space<semaphore_mem>>
    %dma_wait3A_26 = tpu.memref_squeeze %dma_wait3A_25 : memref<1x!tpu.dma_semaphore, #tpu.memory_space<semaphore_mem>> -> memref<!tpu.dma_semaphore, #tpu.memory_space<semaphore_mem>>
    %dma_wait3A_27 = arith.constant 0 : i32
    %dma_wait3A_28 = arith.constant 0 : i32
    %dma_wait3A_29 = tpu.memref_slice %arg5[%multiple_of3A, %dma_wait3A_27, %dma_wait3A_28] : memref<8192x8x128xf32, #tpu.memory_space<hbm>> -> memref<32x8x128xf32, #tpu.memory_space<hbm>>
    tpu.wait_dma2 semaphore(%dma_wait3A_26 : memref<!tpu.dma_semaphore, #tpu.memory_space<semaphore_mem>>) src(%arg7 : memref<32x8x128xf32, #tpu.memory_space<vmem>>) dst(%dma_wait3A_29 : memref<32x8x128xf32, #tpu.memory_space<hbm>>)
    %dma_wait3A_30 = arith.constant 3 : i32
    %dma_wait3A_31 = tpu.memref_slice %arg9[%dma_wait3A_30] : memref<4x!tpu.dma_semaphore, #tpu.memory_space<semaphore_mem>> -> memref<1x!tpu.dma_semaphore, #tpu.memory_space<semaphore_mem>>
    %dma_wait3A_32 = tpu.memref_squeeze %dma_wait3A_31 : memref<1x!tpu.dma_semaphore, #tpu.memory_space<semaphore_mem>> -> memref<!tpu.dma_semaphore, #tpu.memory_space<semaphore_mem>>
    %dma_wait3A_33 = arith.constant 0 : i32
    %dma_wait3A_34 = arith.constant 0 : i32
    %dma_wait3A_35 = tpu.memref_slice %arg6[%multiple_of3A, %dma_wait3A_33, %dma_wait3A_34] : memref<8192x8x128xf32, #tpu.memory_space<hbm>> -> memref<32x8x128xf32, #tpu.memory_space<hbm>>
    tpu.wait_dma2 semaphore(%dma_wait3A_32 : memref<!tpu.dma_semaphore, #tpu.memory_space<semaphore_mem>>) src(%arg8 : memref<32x8x128xf32, #tpu.memory_space<vmem>>) dst(%dma_wait3A_35 : memref<32x8x128xf32, #tpu.memory_space<hbm>>)
    return
  }
}

</mosaic_0001>

<sc_bundles>
// kernel: kernel.4.cloned.1.call-start
scs
__scs_entry_jumppad:
0x0: {  	(pc) =	sbr.rel $0x88, $3  }
0x1: {  	(tag) =	ssettag $0x0;
	lr =	simm.s32 $0x1  }
0x2: {  	[smem:$0x3F9C] =	sst lr;
	_ =	strace $0xD0000000  }
0x3: {  	_ = 	snop  }
0x4: {  	_ = 	snop  }
0x5: {  	_ = 	snop  }
0x6: {  	_ = 	snop  }
0x7: {  	_ = 	snop  }
__scs_overlays_trampoline_lowered:
0x8: {  	[smem:$0x3FAB] =	sst s0  }
0x9: {  	[smem:$0x3FAC] =	sst s1  }
0xa: {  	[smem:$0x3FAD] =	sst s2  }
0xb: {  	[smem:$0x3FAE] =	sst s3  }
0xc: {  	[smem:$0x3FAF] =	sst s4  }
0xd: {  	[smem:$0x3FB0] =	sst s5  }
0xe: {  	[smem:$0x3FB1] =	sst s6  }
0xf: {  	[smem:$0x3FB2] =	sst s7  }
0x10: {  	[smem:$0x3FB3] =	sst s8  }
0x11: {  	[smem:$0x3FB4] =	sst s9;
	s0 =	simm.s32 @!p0 $0x0  }
0x12: {  	s1 =	sld [smem:$0x3F9A];
	s0 =	simm.s32 @p0 $0x1  }
0x13: {  	[smem:$0x3FB5] =	sst s0;
	s0 =	simm.s32 @!p1 $0x0  }
0x14: {  	s2 =	sld [smem:$0x3F99];
	s0 =	simm.s32 @p1 $0x1  }
0x15: {  	[smem:$0x3FB6] =	sst s0;
	s0 =	simm.s32 @!p2 $0x0  }
0x16: {  	s3 =	sld [smem:$0x3FDB];
	s0 =	simm.s32 @p2 $0x1  }
0x17: {  	s4 =	simm.s32 $0x1BF5;
	[smem:$0x3FB8] =	sst s0  }
0x18: {  	s0 =	sld [smem:$0x3F9B];
	_ =	swait.ge [sflag:s4], $0x0  }
0x19: {  	s7 =	sld [smem:$0x3F9C]  }
0x1a: {  	s8 =	sadd.s32 $0xFFFFE003, lr  }
0x1b: {  	s9 =	sadd.s32 $0xFFFFFEF7, lr;
	s5 =	simm.s32 $0xFFFFFFFF;
	p2 =	slt.u32 s8, $0xFFFFF086  }
0x1c: {  	p1 =	slt.u32 s9, $0xF7A;
	s5 =	simm.s32 @!p2 $0x0  }
0x1d: {  	s5 =	simm.s32 @p1 $0x1;
	p0 =	seq.s32 s7, s2  }
0x1e: {  	s7 =	smul.u32 @!p0 $0xF7A, s2;
	p2 =	seq.s32 @!p0 s5, $0x0  }
0x1f: {  	s9 =	smul.u32 $0xF7A, s1;
	s8 =	simm.s32 @!p0 $0x1BF5;
	p2 =	por !p2, p0  }
0x20: {  	[sflag:s8] =	ssyncset.s32 @!p0 $0xFFFFF086;
	s6 =	sadd.s32 @!p0 s3, s7;
	s7 =	simm.s32 @!p0 $0x108  }
0x21: {  	s3 =	sadd.s32 s3, s9;
	s6 =	sadd.s32 @!p0 $0x88, s6;
	s7 =	simm.s32 @p2 $0x1082  }
0x22: {  	[simem:s7], [sflag:s8] =	dma.local @!p0 [hbm:s6], $0xF7A  }
0x23: {  	s9 =	sor.u32 $0xD0000000, s2;
	s6 =	simm.s32 $0x108;
	_ =	swait.ge @!p0 [sflag:s8], $0x0  }
0x24: {  	s3 =	sadd.s32 $0x88, s3;
	s6 =	simm.s32 @!p1 $0x1082;
	[sflag:s4] =	ssyncset.s32 $0xFFFFF086  }
0x25: {  	[simem:s6], [sflag:s4] =	dma.local [hbm:s3], $0xF7A  }
0x26: {  	[smem:$0x3F9C] =	sst s1;
	(tag) =	ssettag s2;
	_ =	strace s9  }
0x27: {  	s1 =	sld [smem:$0x3FAC]  }
0x28: {  	s2 =	sld [smem:$0x3FAD]  }
0x29: {  	s4 =	sld [smem:$0x3FAF]  }
0x2a: {  	p0 =	seq.s32 s5, $0x0;
	s5 =	sld [smem:$0x3FB0]  }
0x2b: {  	s6 =	sld [smem:$0x3FB1]  }
0x2c: {  	s7 =	sld [smem:$0x3FB2]  }
0x2d: {  	s3 =	simm.s32 $0x108;
	s8 =	sld [smem:$0x3FB3]  }
0x2e: {  	s3 =	simm.s32 @!p0 $0x1082;
	s9 =	sld [smem:$0x3FB4]  }
0x2f: {  	lr =	sadd.s32 s0, s3;
	s0 =	sld [smem:$0x3FAB]  }
0x30: {  	s3 =	sld [smem:$0x3FAE]  }
0x31: {  	[smem:$0x3FB7] =	sst s10  }
0x32: {  	s10 =	sld [smem:$0x3FB5];
	_ =	sdelay $0x3  }
0x33: {  	p0 =	seq.s32 s10, $0x1;
	s10 =	sld [smem:$0x3FB7];
	_ =	sdelay $0x3  }
0x34: {  	[smem:$0x3FB7] =	sst s10  }
0x35: {  	s10 =	sld [smem:$0x3FB6];
	_ =	sdelay $0x3  }
0x36: {  	p1 =	seq.s32 s10, $0x1;
	s10 =	sld [smem:$0x3FB7];
	_ =	sdelay $0x3  }
0x37: {  	[smem:$0x3FB7] =	sst s10  }
0x38: {  	s10 =	sld [smem:$0x3FB8]  }
0x39: {  	_ = 	snop;
	(pc) =	sbr.ind lr, $3  }
0x3a: {  	_ = 	snop  }
0x3b: {  	_ = 	snop  }
0x3c: {  	p2 =	seq.s32 s10, $0x1;
	s10 =	sld [smem:$0x3FB7]  }
0x3d: {  	_ =	shalt  }
0x3e: {  	_ =	shalt  }
0x3f: {  	_ =	shalt  }
0x40: {  	_ =	shalt  }
0x41: {  	_ =	shalt  }
0x42: {  	_ =	shalt  }
0x43: {  	_ =	shalt  }
0x44: {  	_ =	shalt  }
0x45: {  	_ =	shalt  }
0x46: {  	_ =	shalt  }
0x47: {  	_ =	shalt  }
0x48: {  	_ =	shalt  }
0x49: {  	_ =	shalt  }
0x4a: {  	_ =	shalt  }
0x4b: {  	_ =	shalt  }
0x4c: {  	_ =	shalt  }
0x4d: {  	_ =	shalt  }
0x4e: {  	_ =	shalt  }
0x4f: {  	_ =	shalt  }
0x50: {  	_ =	shalt  }
0x51: {  	_ =	shalt  }
0x52: {  	_ =	shalt  }
0x53: {  	_ =	shalt  }
0x54: {  	_ =	shalt  }
0x55: {  	_ =	shalt  }
0x56: {  	_ =	shalt  }
0x57: {  	_ =	shalt  }
0x58: {  	_ =	shalt  }
0x59: {  	_ =	shalt  }
0x5a: {  	_ =	shalt  }
0x5b: {  	_ =	shalt  }
0x5c: {  	_ =	shalt  }
0x5d: {  	_ =	shalt  }
0x5e: {  	_ =	shalt  }
0x5f: {  	_ =	shalt  }
0x60: {  	_ =	shalt  }
0x61: {  	_ =	shalt  }
0x62: {  	_ =	shalt  }
0x63: {  	_ =	shalt  }
0x64: {  	_ =	shalt  }
0x65: {  	_ =	shalt  }
0x66: {  	_ =	shalt  }
0x67: {  	_ =	shalt  }
0x68: {  	_ =	shalt  }
0x69: {  	_ =	shalt  }
0x6a: {  	_ =	shalt  }
0x6b: {  	_ =	shalt  }
0x6c: {  	_ =	shalt  }
0x6d: {  	_ =	shalt  }
0x6e: {  	_ =	shalt  }
0x6f: {  	_ =	shalt  }
0x70: {  	_ =	shalt  }
0x71: {  	_ =	shalt  }
0x72: {  	_ =	shalt  }
0x73: {  	_ =	shalt  }
0x74: {  	_ =	shalt  }
0x75: {  	_ =	shalt  }
0x76: {  	_ =	shalt  }
0x77: {  	_ =	shalt  }
0x78: {  	_ =	shalt  }
0x79: {  	_ =	shalt  }
0x7a: {  	_ =	shalt  }
0x7b: {  	_ =	shalt  }
0x7c: {  	_ =	shalt  }
0x7d: {  	_ =	shalt  }
0x7e: {  	_ =	shalt  }
0x7f: {  	_ =	shalt  }
0x80: {  	_ =	shalt  }
0x81: {  	_ =	shalt  }
0x82: {  	_ =	shalt  }
0x83: {  	_ =	shalt  }
0x84: {  	_ =	shalt  }
0x85: {  	_ =	shalt  }
0x86: {  	_ =	shalt  }
0x87: {  	_ =	shalt  }
.Lfunc_end0:
.L_simem_size_0:
called_computation_lowered:
.L_overlay_start_0:
0x88: {  	s2 =	sld [smem:$0x3FD9]  }
0x89: {  	s3 =	sld [smem:$0x3FFE];
	_ =	sdelay $0x1  }
0x8a: {  	s1 =	srdreg.scid  }
0x8b: {  	s0 =	sand.u32 $0x1, s1  }
0x8c: {  	s15 =	sshll.u32 s0, $0xA;
	s2 =	sadd.s32 s3, s2  }
0x8d: {  	s2 =	sadd.s32 s2, s15  }
0x8e: {  	[smem:$0x3FC3] =	sst s2  }
0x8f: {  	_ = 	snop  }
0x90: {  	s2 =	sld [smem:$0x3FD0];
	_ =	sdelay $0x1  }
0x91: {  	s16 =	sld [smem:$0x3FC9]  }
0x92: {  	s5 =	simm.s32 $0xA;
	s6 =	simm.s32 $0x10;
	s4 =	sld [smem:$0x3FC8]  }
0x93: {  	[smem:s6], [sflag:s5] =	dma.local [hbm:s2], $0x1  }
0x94: {  	_ =	swait.eq [sflag:s5], $0x1  }
0x95: {  	[sflag:s5] =	ssyncset.done $0x0  }
0x96: {  	s17 =	sld [smem:$0x10];
	[sflag:s5] =	ssyncadd.s32 $0xFFFFFFFF  }
0x97: {  	s18 =	sld [smem:$0x11];
	(tm) =	ssettm $0x1  }
0x98: {  	s19 =	sld [smem:$0x3FFB];
	_ =	sdelay $0x3  }
0x99: {  	_ =	strace s19  }
0x9a: {  	s6 =	sld [smem:$0x3FFC];
	_ =	sdelay $0x3  }
0x9b: {  	_ =	strace s6  }
0x9c: {  	s6 =	sld [smem:$0x3FFD];
	_ =	sdelay $0x3  }
0x9d: {  	_ =	strace s6  }
0x9e: {  	_ =	strace $0x8FFFFFFF  }
0x9f: {  	s20 =	sld [smem:$0x3FDB];
	_ =	sdelay $0x1  }
0xa0: {  	s7 =	simm.s32 $_scs_section_size  }
0xa1: {  	s8 =	simm.s32 $_size__tile_overlayer_lowered;
	s9 =	simm.s32 $_tile_overlayer_lowered  }
0xa2: {  	s23 =	simm.s32 $0x1BFF;
	s22 =	sshll.u32 s9, $0x1;
	s6 =	sadd.s32 s7, s20  }
0xa3: {  	s10 =	simm.s32 $0x0;
	s21 =	sshll.u32 s8, $0x1;
	s8 =	sadd.s32 s22, s6  }
0xa4: {  	[timem:s10], [sflag:s23] =	dma.local [hbm:s8], s21  }
0xa5: {  	_ =	swait.ge [sflag:s23], s21  }
0xa6: {  	s7 =	ssub.s32 $0x0, s21;
	[sflag:s23] =	ssyncset.done $0x0  }
0xa7: {  	[sflag:s23] =	ssyncadd.s32 s7;
	_ =	sdelay $0x1  }
0xa8: {  	s24 =	simm.s32 $0x1B8B  }
0xa9: {  	_ =	swait.ge [sflag:s24], $0x1  }
0xaa: {  	[sflag:s24] =	ssyncset.done $0x0  }
0xab: {  	s25 =	simm.s32 $0x1B8E;
	[sflag:s24] =	ssyncadd.s32 $0xFFFFFFFF  }
0xac: {  	s26 =	simm.s32 $execute0_lowered;
	[smem:$0x3FD2] =	sst s25  }
0xad: {  	s7 =	sshll.u32 s26, $0x1;
	_ =	strace $0x80000046;
	[dreg:$0x1] =	wrdreg $0xFFFFFFFF  }
0xae: {  	s28 =	simm.s32 $_size_execute0_lowered;
	s6 =	sadd.s32 s6, s7;
	[dreg:$0x0] =	wrdreg $0x0  }
0xaf: {  	s7 =	sshll.u32 s28, $0x1;
	[dreg:$0x2] =	wrdreg s6  }
0xb0: {  	[dreg:$0x3] =	wrdreg s7  }
0xb1: {  	[dreg:$0x4] =	wrdreg $0xC0  }
0xb2: {  	_ =	task [dreg:s10], $0x5FFFF  }
0xb3: {  	[dreg:$0x1] =	wrdreg $0xFFFFFFFF  }
0xb4: {  	[dreg:$0x0] =	wrdreg $0x60  }
0xb5: {  	[dreg:$0x2] =	wrdreg s16  }
0xb6: {  	[dreg:$0x3] =	wrdreg s4  }
0xb7: {  	[dreg:$0x4] =	wrdreg s17  }
0xb8: {  	[dreg:$0x5] =	wrdreg s18  }
0xb9: {  	[dreg:$0x6] =	wrdreg $0x9  }
0xba: {  	_ =	task.clear_ibuf [dreg:s10], $0x7FFFF;
	_ =	strace $0x90000046  }
0xbb: {  	s29 =	simm.s32 $0x9;
	_ =	strace $0x80000048  }
0xbc: {  	_ =	swait.ge [sflag:s29], $0x1  }
0xbd: {  	[sflag:s29] =	ssyncadd.s32 $0xFFFFFFFF  }
0xbe: {  	_ =	strace $0x90000048  }
0xbf: {  	_ =	sfence  }
0xc0: {  	s30 =	sld [smem:$0x0];
	_ =	sdelay $0x2  }
0xc1: {  	s31 =	sshll.u32 s1, $0xD;
	s1 =	sshrl.u32 s1, $0x2  }
0xc2: {  	s3 =	sand.u32 $0x4000, s31;
	s1 =	sadd.s32 s1, s30  }
0xc3: {  	s0 =	sor.u32 s3, s0;
	s1 =	sshll.u32 s1, $0x11  }
0xc4: {  	s0 =	sor.u32 s1, s0  }
0xc5: {  	s0 =	sadd.s32 $0x8F2B, s0  }
0xc6: {  	[sflag:s0] =	ssyncadd.remote.s32 $0x1  }
0xc7: {  	_ =	sfence.sel $0xFFFF  }
0xc8: {  	[dreg:$0x0] =	wrdreg $0xFFFFFFFF;
	(pc) =	sbr.abs _section_cstart, $3  }
0xc9: {  	[dreg:$0x1] =	wrdreg $0xFFFFFFFF  }
0xca: {  	_ =	task.clear_ibuf [dreg:s10], $0x2FFFF;
	_ =	strace $0x9FFFFFFF  }
0xcb: {  	(tm) =	ssettm $0x7FFFFFFF  }
tec
execute0_lowered:
.L_overlay_start_1:
0x0: {  	(tag) =	ssettag $0x1  }
0x1: {  	s11 =	rddreg [dreg:$0x0]  }
0x2: {  	s28 =	rddreg [dreg:$0x1];
	s1 =	srdreg.scid  }
0x3: {  	s16 =	rddreg [dreg:$0x2];
	s3 =	stileid.u32;
	s1 =	sand.u32 $0x1, s1  }
0x4: {  	s2 =	simm.s32 $0x0;
	s3 =	sshll.u32 s3, $0x10;
	s4 =	sshll.u32 s1, $0xF  }
0x5: {  	[smem:$0x7FF] =	sst s2;
	s18 =	sor.u32 s4, s3  }
0x6: {  	s0 =	rddreg [dreg:$0x3];
	_ =	strace $0x80000047;
	s3 =	sadd.s32 s11, s18  }
0x7: {  	s20 =	sor.u32 $0x1000, s18;
	s6 =	sadd.s32 s16, s18;
	[dreg:$0x5] =	wrdreg s3  }
0x8: {  	s22 =	sor.u32 $0x2000, s18;
	s4 =	sadd.s32 s11, s20;
	[dreg:$0x8] =	wrdreg s6  }
0x9: {  	s24 =	sor.u32 $0x3000, s18;
	s5 =	sadd.s32 s11, s22;
	[dreg:$0x6] =	wrdreg s4  }
0xa: {  	s7 =	sadd.s32 s11, s24;
	[dreg:$0x7] =	wrdreg s5  }
0xb: {  	s26 =	sor.u32 $0x4000, s18;
	s8 =	sadd.s32 s16, s20;
	[dreg:$0x9] =	wrdreg s7  }
0xc: {  	s9 =	sadd.s32 s11, s26;
	[dreg:$0xa] =	wrdreg s8  }
0xd: {  	s29 =	sor.u32 $0x5000, s18;
	s10 =	sadd.s32 s16, s22;
	[dreg:$0xb] =	wrdreg s9  }
0xe: {  	s12 =	sadd.s32 s11, s29;
	[dreg:$0xc] =	wrdreg s10  }
0xf: {  	s13 =	sadd.s32 s16, s24;
	[dreg:$0xd] =	wrdreg s12  }
0x10: {  	s30 =	sor.u32 $0x6000, s18;
	[dreg:$0xe] =	wrdreg s13  }
0x11: {  	s14 =	sadd.s32 s11, s30;
	s15 =	rddreg [dreg:$0x5]  }
0x12: {  	s17 =	sadd.s32 s16, s26;
	[dreg:$0xf] =	wrdreg s14  }
0x13: {  	[dreg:$0x10] =	wrdreg s17  }
0x14: {  	[tilespmem:s2], [sflag:$0x1] =	stream.linear.gather [hbm4b:s15+s2], $0x8000, $0x38;
	[tilespmem:$0x18000] =	vst v63  }
0x15: {  	s3 =	simm.s32 $0x8000;
	s5 =	rddreg [dreg:$0x6]  }
0x16: {  	[tilespmem:s3], [sflag:$0x2] =	stream.linear.gather [hbm4b:s5+s2], $0x8000, $0x38;
	[tilespmem:$0x18000] =	vst v63  }
0x17: {  	s4 =	simm.s32 $0x10000;
	s6 =	rddreg [dreg:$0x7];
	s5 =	simm.s32 $0x1  }
0x18: {  	[tilespmem:s4], [sflag:$0x3] =	stream.linear.gather [hbm4b:s6+s2], $0x8000, $0x38;
	[tilespmem:$0x18000] =	vst v63  }
0x19: {  	_ =	swait.ge [sflag:s5], $0x8000  }
0x1a: {  	[sflag:s5] =	ssyncset.done $0x0  }
0x1b: {  	s6 =	simm.s32 $0x4;
	s7 =	rddreg [dreg:$0x8];
	[sflag:s5] =	ssyncadd.s32 $0xFFFF8000  }
0x1c: {  	[hbm4b:s7+s2] =	stream.linear.scatter [tilespmem:s2], [sflag:$0x4], $0x8000, $0x38;
	[tilespmem:$0x18000] =	vst v63  }
0x1d: {  	_ =	swait.ge [sflag:s6], $0x8000  }
0x1e: {  	[sflag:s6] =	ssyncset.done $0x0  }
0x1f: {  	s7 =	simm.s32 $0x2;
	s8 =	rddreg [dreg:$0x9];
	[sflag:s6] =	ssyncadd.s32 $0xFFFF8000  }
0x20: {  	[tilespmem:s2], [sflag:$0x1] =	stream.linear.gather [hbm4b:s8+s2], $0x8000, $0x38;
	[tilespmem:$0x18000] =	vst v63  }
0x21: {  	_ =	swait.ge [sflag:s7], $0x8000  }
0x22: {  	[sflag:s7] =	ssyncset.done $0x0  }
0x23: {  	s8 =	simm.s32 $0x5;
	s9 =	rddreg [dreg:$0xa];
	[sflag:s7] =	ssyncadd.s32 $0xFFFF8000  }
0x24: {  	[hbm4b:s9+s2] =	stream.linear.scatter [tilespmem:s3], [sflag:$0x5], $0x8000, $0x38;
	[tilespmem:$0x18000] =	vst v63  }
0x25: {  	_ =	swait.ge [sflag:s8], $0x8000  }
0x26: {  	[sflag:s8] =	ssyncset.done $0x0  }
0x27: {  	s9 =	simm.s32 $0x3;
	s10 =	rddreg [dreg:$0xb];
	[sflag:s8] =	ssyncadd.s32 $0xFFFF8000  }
0x28: {  	[tilespmem:s3], [sflag:$0x2] =	stream.linear.gather [hbm4b:s10+s2], $0x8000, $0x38;
	[tilespmem:$0x18000] =	vst v63  }
0x29: {  	_ =	swait.ge [sflag:s9], $0x8000  }
0x2a: {  	[sflag:s9] =	ssyncset.done $0x0  }
0x2b: {  	s10 =	simm.s32 $0x6;
	s12 =	rddreg [dreg:$0xc];
	[sflag:s9] =	ssyncadd.s32 $0xFFFF8000  }
0x2c: {  	[hbm4b:s12+s2] =	stream.linear.scatter [tilespmem:s4], [sflag:$0x6], $0x8000, $0x38;
	[tilespmem:$0x18000] =	vst v63  }
0x2d: {  	_ =	swait.ge [sflag:s10], $0x8000  }
0x2e: {  	[sflag:s10] =	ssyncset.done $0x0  }
0x2f: {  	s19 =	rddreg [dreg:$0xd];
	[sflag:s10] =	ssyncadd.s32 $0xFFFF8000  }
0x30: {  	[tilespmem:s4], [sflag:$0x3] =	stream.linear.gather [hbm4b:s19+s2], $0x8000, $0x38;
	[tilespmem:$0x18000] =	vst v63  }
0x31: {  	_ =	swait.ge [sflag:s5], $0x8000  }
0x32: {  	[sflag:s5] =	ssyncset.done $0x0  }
0x33: {  	s21 =	rddreg [dreg:$0xe];
	[sflag:s5] =	ssyncadd.s32 $0xFFFF8000  }
0x34: {  	[hbm4b:s21+s2] =	stream.linear.scatter [tilespmem:s2], [sflag:$0x4], $0x8000, $0x38;
	[tilespmem:$0x18000] =	vst v63  }
0x35: {  	_ =	swait.ge [sflag:s6], $0x8000  }
0x36: {  	[sflag:s6] =	ssyncset.done $0x0  }
0x37: {  	s23 =	rddreg [dreg:$0xf];
	[sflag:s6] =	ssyncadd.s32 $0xFFFF8000  }
0x38: {  	[tilespmem:s2], [sflag:$0x1] =	stream.linear.gather [hbm4b:s23+s2], $0x8000, $0x38;
	[tilespmem:$0x18000] =	vst v63  }
0x39: {  	_ =	swait.ge [sflag:s7], $0x8000  }
0x3a: {  	[sflag:s7] =	ssyncset.done $0x0  }
0x3b: {  	s25 =	rddreg [dreg:$0x10];
	[sflag:s7] =	ssyncadd.s32 $0xFFFF8000  }
0x3c: {  	[hbm4b:s25+s2] =	stream.linear.scatter [tilespmem:s3], [sflag:$0x5], $0x8000, $0x38;
	[tilespmem:$0x18000] =	vst v63  }
0x3d: {  	s31 =	sor.u32 $0x7000, s18;
	_ =	swait.ge [sflag:s8], $0x8000  }
0x3e: {  	s11 =	sadd.s32 s11, s31;
	[sflag:s8] =	ssyncset.done $0x0  }
0x3f: {  	[dreg:$0x11] =	wrdreg s11;
	[sflag:s8] =	ssyncadd.s32 $0xFFFF8000  }
0x40: {  	[tilespmem:s3], [sflag:$0x2] =	stream.linear.gather [hbm4b:s11+s2], $0x8000, $0x38;
	[tilespmem:$0x18000] =	vst v63  }
0x41: {  	_ =	swait.ge [sflag:s9], $0x8000  }
0x42: {  	[sflag:s9] =	ssyncset.done $0x0  }
0x43: {  	s11 =	sadd.s32 s16, s29;
	[sflag:s9] =	ssyncadd.s32 $0xFFFF8000  }
0x44: {  	[hbm4b:s11+s2] =	stream.linear.scatter [tilespmem:s4], [sflag:$0x6], $0x8000, $0x38;
	[tilespmem:$0x18000] =	vst v63  }
0x45: {  	_ =	swait.ge [sflag:s10], $0x8000  }
0x46: {  	[sflag:s10] =	ssyncset.done $0x0  }
0x47: {  	s13 =	sadd.s32 s28, s18;
	[sflag:s10] =	ssyncadd.s32 $0xFFFF8000  }
0x48: {  	[tilespmem:s4], [sflag:$0x3] =	stream.linear.gather [hbm4b:s13+s2], $0x8000, $0x38;
	[tilespmem:$0x18000] =	vst v63  }
0x49: {  	_ =	swait.ge [sflag:s5], $0x8000  }
0x4a: {  	[sflag:s5] =	ssyncset.done $0x0  }
0x4b: {  	s14 =	sadd.s32 s16, s30;
	[sflag:s5] =	ssyncadd.s32 $0xFFFF8000  }
0x4c: {  	[hbm4b:s14+s2] =	stream.linear.scatter [tilespmem:s2], [sflag:$0x4], $0x8000, $0x38;
	[tilespmem:$0x18000] =	vst v63  }
0x4d: {  	_ =	swait.ge [sflag:s6], $0x8000  }
0x4e: {  	[sflag:s6] =	ssyncset.done $0x0  }
0x4f: {  	s15 =	sadd.s32 s28, s20;
	[sflag:s6] =	ssyncadd.s32 $0xFFFF8000  }
0x50: {  	[tilespmem:s2], [sflag:$0x1] =	stream.linear.gather [hbm4b:s15+s2], $0x8000, $0x38;
	[tilespmem:$0x18000] =	vst v63  }
0x51: {  	_ =	swait.ge [sflag:s7], $0x8000  }
0x52: {  	[sflag:s7] =	ssyncset.done $0x0  }
0x53: {  	s16 =	sadd.s32 s16, s31;
	[sflag:s7] =	ssyncadd.s32 $0xFFFF8000  }
0x54: {  	[hbm4b:s16+s2] =	stream.linear.scatter [tilespmem:s3], [sflag:$0x5], $0x8000, $0x38;
	[tilespmem:$0x18000] =	vst v63  }
0x55: {  	_ =	swait.ge [sflag:s8], $0x8000  }
0x56: {  	[sflag:s8] =	ssyncset.done $0x0  }
0x57: {  	s17 =	sadd.s32 s28, s22;
	[sflag:s8] =	ssyncadd.s32 $0xFFFF8000  }
0x58: {  	[tilespmem:s3], [sflag:$0x2] =	stream.linear.gather [hbm4b:s17+s2], $0x8000, $0x38;
	[tilespmem:$0x18000] =	vst v63  }
0x59: {  	_ =	swait.ge [sflag:s9], $0x8000  }
0x5a: {  	[sflag:s9] =	ssyncset.done $0x0  }
0x5b: {  	s18 =	sadd.s32 s0, s18;
	[sflag:s9] =	ssyncadd.s32 $0xFFFF8000  }
0x5c: {  	[hbm4b:s18+s2] =	stream.linear.scatter [tilespmem:s4], [sflag:$0x6], $0x8000, $0x38;
	[tilespmem:$0x18000] =	vst v63  }
0x5d: {  	_ =	swait.ge [sflag:s10], $0x8000  }
0x5e: {  	[sflag:s10] =	ssyncset.done $0x0  }
0x5f: {  	s19 =	sadd.s32 s28, s24;
	[sflag:s10] =	ssyncadd.s32 $0xFFFF8000  }
0x60: {  	[tilespmem:s4], [sflag:$0x3] =	stream.linear.gather [hbm4b:s19+s2], $0x8000, $0x38;
	[tilespmem:$0x18000] =	vst v63  }
0x61: {  	_ =	swait.ge [sflag:s5], $0x8000  }
0x62: {  	[sflag:s5] =	ssyncset.done $0x0  }
0x63: {  	s20 =	sadd.s32 s0, s20;
	[sflag:s5] =	ssyncadd.s32 $0xFFFF8000  }
0x64: {  	[hbm4b:s20+s2] =	stream.linear.scatter [tilespmem:s2], [sflag:$0x4], $0x8000, $0x38;
	[tilespmem:$0x18000] =	vst v63  }
0x65: {  	_ =	swait.ge [sflag:s6], $0x8000  }
0x66: {  	[sflag:s6] =	ssyncset.done $0x0  }
0x67: {  	s21 =	sadd.s32 s28, s26;
	[sflag:s6] =	ssyncadd.s32 $0xFFFF8000  }
0x68: {  	[tilespmem:s2], [sflag:$0x1] =	stream.linear.gather [hbm4b:s21+s2], $0x8000, $0x38;
	[tilespmem:$0x18000] =	vst v63  }
0x69: {  	_ =	swait.ge [sflag:s7], $0x8000  }
0x6a: {  	[sflag:s7] =	ssyncset.done $0x0  }
0x6b: {  	s22 =	sadd.s32 s0, s22;
	[sflag:s7] =	ssyncadd.s32 $0xFFFF8000  }
0x6c: {  	[hbm4b:s22+s2] =	stream.linear.scatter [tilespmem:s3], [sflag:$0x5], $0x8000, $0x38;
	[tilespmem:$0x18000] =	vst v63  }
0x6d: {  	_ =	swait.ge [sflag:s8], $0x8000  }
0x6e: {  	[sflag:s8] =	ssyncset.done $0x0  }
0x6f: {  	s23 =	sadd.s32 s28, s29;
	[sflag:s8] =	ssyncadd.s32 $0xFFFF8000  }
0x70: {  	[tilespmem:s3], [sflag:$0x2] =	stream.linear.gather [hbm4b:s23+s2], $0x8000, $0x38;
	[tilespmem:$0x18000] =	vst v63  }
0x71: {  	_ =	swait.ge [sflag:s9], $0x8000  }
0x72: {  	[sflag:s9] =	ssyncset.done $0x0  }
0x73: {  	s24 =	sadd.s32 s0, s24;
	[sflag:s9] =	ssyncadd.s32 $0xFFFF8000  }
0x74: {  	[hbm4b:s24+s2] =	stream.linear.scatter [tilespmem:s4], [sflag:$0x6], $0x8000, $0x38;
	[tilespmem:$0x18000] =	vst v63  }
0x75: {  	_ =	swait.ge [sflag:s10], $0x8000  }
0x76: {  	[sflag:s10] =	ssyncset.done $0x0  }
0x77: {  	s25 =	sadd.s32 s28, s30;
	[sflag:s10] =	ssyncadd.s32 $0xFFFF8000  }
0x78: {  	[tilespmem:s4], [sflag:$0x3] =	stream.linear.gather [hbm4b:s25+s2], $0x8000, $0x38;
	[tilespmem:$0x18000] =	vst v63  }
0x79: {  	_ =	swait.ge [sflag:s5], $0x8000  }
0x7a: {  	[sflag:s5] =	ssyncset.done $0x0  }
0x7b: {  	s26 =	sadd.s32 s0, s26;
	[sflag:s5] =	ssyncadd.s32 $0xFFFF8000  }
0x7c: {  	[hbm4b:s26+s2] =	stream.linear.scatter [tilespmem:s2], [sflag:$0x4], $0x8000, $0x38;
	[tilespmem:$0x18000] =	vst v63  }
0x7d: {  	_ =	swait.ge [sflag:s6], $0x8000  }
0x7e: {  	[sflag:s6] =	ssyncset.done $0x0  }
0x7f: {  	s28 =	sadd.s32 s28, s31;
	[sflag:s6] =	ssyncadd.s32 $0xFFFF8000  }
0x80: {  	[tilespmem:s2], [sflag:$0x1] =	stream.linear.gather [hbm4b:s28+s2], $0x8000, $0x38;
	[tilespmem:$0x18000] =	vst v63  }
0x81: {  	_ =	swait.ge [sflag:s7], $0x8000  }
0x82: {  	[sflag:s7] =	ssyncset.done $0x0  }
0x83: {  	s29 =	sadd.s32 s0, s29;
	[sflag:s7] =	ssyncadd.s32 $0xFFFF8000  }
0x84: {  	[hbm4b:s29+s2] =	stream.linear.scatter [tilespmem:s3], [sflag:$0x5], $0x8000, $0x38;
	[tilespmem:$0x18000] =	vst v63  }
0x85: {  	_ =	swait.ge [sflag:s9], $0x8000  }
0x86: {  	[sflag:s9] =	ssyncset.done $0x0  }
0x87: {  	s30 =	sadd.s32 s0, s30;
	[sflag:s9] =	ssyncadd.s32 $0xFFFF8000  }
0x88: {  	[hbm4b:s30+s2] =	stream.linear.scatter [tilespmem:s4], [sflag:$0x6], $0x8000, $0x38;
	[tilespmem:$0x18000] =	vst v63  }
0x89: {  	s12 =	ssub.s32 $0x2, s1;
	_ =	swait.ge [sflag:s5], $0x8000  }
0x8a: {  	s1 =	sshrl.u32 s12, $0x1;
	[sflag:s5] =	ssyncset.done $0x0  }
0x8b: {  	s31 =	sadd.s32 s0, s31;
	s0 =	ssub.s32 s12, s1;
	[sflag:s5] =	ssyncadd.s32 $0xFFFF8000  }
0x8c: {  	[hbm4b:s31+s2] =	stream.linear.scatter [tilespmem:s2], [sflag:$0x4], $0x8000, $0x38;
	[tilespmem:$0x18000] =	vst v63  }
0x8d: {  	s0 =	smax.u32 s0, $0x1;
	_ =	swait.ge [sflag:s8], $0x8000  }
0x8e: {  	p0 =	sne.s32 s0, $0x1;
	[sflag:s8] =	ssyncset.done $0x0  }
.Ltmp0:
0x8f: {  	[sflag:s8] =	ssyncadd.s32 $0xFFFF8000;
	(pc) =	sbr.rel @!p0 .LBB2_3-.Ltmp0, $4  }
0x90: {  	_ =	swait.ge [sflag:s10], $0x8000  }
0x91: {  	[sflag:s10] =	ssyncset.done $0x0  }
0x92: {  	[sflag:s10] =	ssyncadd.s32 $0xFFFF8000  }
0x93: {  	s0 =	sadd.s32 $0xFFFFFFFF, s0;
	_ =	swait.ge [sflag:s6], $0x8000  }
0x94: {  	s12 =	smov.u32 s11  }
.LBB2_2:
0x95: {  	[sflag:s6] =	ssyncset.done $0x0  }
0x96: {  	s1 =	rddreg [dreg:$0x5];
	[sflag:s6] =	ssyncadd.s32 $0xFFFF8000  }
0x97: {  	[tilespmem:s2], [sflag:$0x1] =	stream.linear.gather [hbm4b:s1+s2], $0x8000, $0x38;
	[tilespmem:$0x18000] =	vst v63  }
0x98: {  	s11 =	rddreg [dreg:$0x6]  }
0x99: {  	[tilespmem:s3], [sflag:$0x2] =	stream.linear.gather [hbm4b:s11+s2], $0x8000, $0x38;
	[tilespmem:$0x18000] =	vst v63  }
0x9a: {  	s1 =	rddreg [dreg:$0x7]  }
0x9b: {  	[tilespmem:s4], [sflag:$0x3] =	stream.linear.gather [hbm4b:s1+s2], $0x8000, $0x38;
	[tilespmem:$0x18000] =	vst v63  }
0x9c: {  	_ =	swait.ge [sflag:s5], $0x8000  }
0x9d: {  	[sflag:s5] =	ssyncset.done $0x0  }
0x9e: {  	s11 =	rddreg [dreg:$0x8];
	[sflag:s5] =	ssyncadd.s32 $0xFFFF8000  }
0x9f: {  	[hbm4b:s11+s2] =	stream.linear.scatter [tilespmem:s2], [sflag:$0x4], $0x8000, $0x38;
	[tilespmem:$0x18000] =	vst v63  }
0xa0: {  	_ =	swait.ge [sflag:s6], $0x8000  }
0xa1: {  	[sflag:s6] =	ssyncset.done $0x0  }
0xa2: {  	s11 =	rddreg [dreg:$0x9];
	[sflag:s6] =	ssyncadd.s32 $0xFFFF8000  }
0xa3: {  	[tilespmem:s2], [sflag:$0x1] =	stream.linear.gather [hbm4b:s11+s2], $0x8000, $0x38;
	[tilespmem:$0x18000] =	vst v63  }
0xa4: {  	_ =	swait.ge [sflag:s7], $0x8000  }
0xa5: {  	[sflag:s7] =	ssyncset.done $0x0  }
0xa6: {  	s11 =	rddreg [dreg:$0xa];
	[sflag:s7] =	ssyncadd.s32 $0xFFFF8000  }
0xa7: {  	[hbm4b:s11+s2] =	stream.linear.scatter [tilespmem:s3], [sflag:$0x5], $0x8000, $0x38;
	[tilespmem:$0x18000] =	vst v63  }
0xa8: {  	_ =	swait.ge [sflag:s8], $0x8000  }
0xa9: {  	[sflag:s8] =	ssyncset.done $0x0  }
0xaa: {  	s11 =	rddreg [dreg:$0xb];
	[sflag:s8] =	ssyncadd.s32 $0xFFFF8000  }
0xab: {  	[tilespmem:s3], [sflag:$0x2] =	stream.linear.gather [hbm4b:s11+s2], $0x8000, $0x38;
	[tilespmem:$0x18000] =	vst v63  }
0xac: {  	_ =	swait.ge [sflag:s9], $0x8000  }
0xad: {  	[sflag:s9] =	ssyncset.done $0x0  }
0xae: {  	s11 =	rddreg [dreg:$0xc];
	[sflag:s9] =	ssyncadd.s32 $0xFFFF8000  }
0xaf: {  	[hbm4b:s11+s2] =	stream.linear.scatter [tilespmem:s4], [sflag:$0x6], $0x8000, $0x38;
	[tilespmem:$0x18000] =	vst v63  }
0xb0: {  	_ =	swait.ge [sflag:s10], $0x8000  }
0xb1: {  	[sflag:s10] =	ssyncset.done $0x0  }
0xb2: {  	s11 =	rddreg [dreg:$0xd];
	[sflag:s10] =	ssyncadd.s32 $0xFFFF8000  }
0xb3: {  	[tilespmem:s4], [sflag:$0x3] =	stream.linear.gather [hbm4b:s11+s2], $0x8000, $0x38;
	[tilespmem:$0x18000] =	vst v63  }
0xb4: {  	_ =	swait.ge [sflag:s5], $0x8000  }
0xb5: {  	[sflag:s5] =	ssyncset.done $0x0  }
0xb6: {  	s11 =	rddreg [dreg:$0xe];
	[sflag:s5] =	ssyncadd.s32 $0xFFFF8000  }
0xb7: {  	[hbm4b:s11+s2] =	stream.linear.scatter [tilespmem:s2], [sflag:$0x4], $0x8000, $0x38;
	[tilespmem:$0x18000] =	vst v63  }
0xb8: {  	_ =	swait.ge [sflag:s6], $0x8000  }
0xb9: {  	[sflag:s6] =	ssyncset.done $0x0  }
0xba: {  	s11 =	rddreg [dreg:$0xf];
	[sflag:s6] =	ssyncadd.s32 $0xFFFF8000  }
0xbb: {  	[tilespmem:s2], [sflag:$0x1] =	stream.linear.gather [hbm4b:s11+s2], $0x8000, $0x38;
	[tilespmem:$0x18000] =	vst v63  }
0xbc: {  	_ =	swait.ge [sflag:s7], $0x8000  }
0xbd: {  	[sflag:s7] =	ssyncset.done $0x0  }
0xbe: {  	s11 =	rddreg [dreg:$0x10];
	[sflag:s7] =	ssyncadd.s32 $0xFFFF8000  }
0xbf: {  	[hbm4b:s11+s2] =	stream.linear.scatter [tilespmem:s3], [sflag:$0x5], $0x8000, $0x38;
	[tilespmem:$0x18000] =	vst v63  }
0xc0: {  	_ =	swait.ge [sflag:s8], $0x8000  }
0xc1: {  	[sflag:s8] =	ssyncset.done $0x0  }
0xc2: {  	s11 =	rddreg [dreg:$0x11];
	[sflag:s8] =	ssyncadd.s32 $0xFFFF8000  }
0xc3: {  	[tilespmem:s3], [sflag:$0x2] =	stream.linear.gather [hbm4b:s11+s2], $0x8000, $0x38;
	[tilespmem:$0x18000] =	vst v63  }
0xc4: {  	_ =	swait.ge [sflag:s9], $0x8000  }
0xc5: {  	[sflag:s9] =	ssyncset.done $0x0  }
0xc6: {  	[sflag:s9] =	ssyncadd.s32 $0xFFFF8000  }
0xc7: {  	[hbm4b:s12+s2] =	stream.linear.scatter [tilespmem:s4], [sflag:$0x6], $0x8000, $0x38;
	[tilespmem:$0x18000] =	vst v63  }
0xc8: {  	_ =	swait.ge [sflag:s10], $0x8000  }
0xc9: {  	[sflag:s10] =	ssyncset.done $0x0  }
0xca: {  	[sflag:s10] =	ssyncadd.s32 $0xFFFF8000  }
0xcb: {  	[tilespmem:s4], [sflag:$0x3] =	stream.linear.gather [hbm4b:s13+s2], $0x8000, $0x38;
	[tilespmem:$0x18000] =	vst v63  }
0xcc: {  	_ =	swait.ge [sflag:s5], $0x8000  }
0xcd: {  	[sflag:s5] =	ssyncset.done $0x0  }
0xce: {  	[sflag:s5] =	ssyncadd.s32 $0xFFFF8000  }
0xcf: {  	[hbm4b:s14+s2] =	stream.linear.scatter [tilespmem:s2], [sflag:$0x4], $0x8000, $0x38;
	[tilespmem:$0x18000] =	vst v63  }
0xd0: {  	_ =	swait.ge [sflag:s6], $0x8000  }
0xd1: {  	[sflag:s6] =	ssyncset.done $0x0  }
0xd2: {  	[sflag:s6] =	ssyncadd.s32 $0xFFFF8000  }
0xd3: {  	[tilespmem:s2], [sflag:$0x1] =	stream.linear.gather [hbm4b:s15+s2], $0x8000, $0x38;
	[tilespmem:$0x18000] =	vst v63  }
0xd4: {  	_ =	swait.ge [sflag:s7], $0x8000  }
0xd5: {  	[sflag:s7] =	ssyncset.done $0x0  }
0xd6: {  	[sflag:s7] =	ssyncadd.s32 $0xFFFF8000  }
0xd7: {  	[hbm4b:s16+s2] =	stream.linear.scatter [tilespmem:s3], [sflag:$0x5], $0x8000, $0x38;
	[tilespmem:$0x18000] =	vst v63  }
0xd8: {  	_ =	swait.ge [sflag:s8], $0x8000  }
0xd9: {  	[sflag:s8] =	ssyncset.done $0x0  }
0xda: {  	[sflag:s8] =	ssyncadd.s32 $0xFFFF8000  }
0xdb: {  	[tilespmem:s3], [sflag:$0x2] =	stream.linear.gather [hbm4b:s17+s2], $0x8000, $0x38;
	[tilespmem:$0x18000] =	vst v63  }
0xdc: {  	_ =	swait.ge [sflag:s9], $0x8000  }
0xdd: {  	[sflag:s9] =	ssyncset.done $0x0  }
0xde: {  	[sflag:s9] =	ssyncadd.s32 $0xFFFF8000  }
0xdf: {  	[hbm4b:s18+s2] =	stream.linear.scatter [tilespmem:s4], [sflag:$0x6], $0x8000, $0x38;
	[tilespmem:$0x18000] =	vst v63  }
0xe0: {  	_ =	swait.ge [sflag:s10], $0x8000  }
0xe1: {  	[sflag:s10] =	ssyncset.done $0x0  }
0xe2: {  	[sflag:s10] =	ssyncadd.s32 $0xFFFF8000  }
0xe3: {  	[tilespmem:s4], [sflag:$0x3] =	stream.linear.gather [hbm4b:s19+s2], $0x8000, $0x38;
	[tilespmem:$0x18000] =	vst v63  }
0xe4: {  	_ =	swait.ge [sflag:s5], $0x8000  }
0xe5: {  	[sflag:s5] =	ssyncset.done $0x0  }
0xe6: {  	[sflag:s5] =	ssyncadd.s32 $0xFFFF8000  }
0xe7: {  	[hbm4b:s20+s2] =	stream.linear.scatter [tilespmem:s2], [sflag:$0x4], $0x8000, $0x38;
	[tilespmem:$0x18000] =	vst v63  }
0xe8: {  	_ =	swait.ge [sflag:s6], $0x8000  }
0xe9: {  	[sflag:s6] =	ssyncset.done $0x0  }
0xea: {  	[sflag:s6] =	ssyncadd.s32 $0xFFFF8000  }
0xeb: {  	[tilespmem:s2], [sflag:$0x1] =	stream.linear.gather [hbm4b:s21+s2], $0x8000, $0x38;
	[tilespmem:$0x18000] =	vst v63  }
0xec: {  	_ =	swait.ge [sflag:s7], $0x8000  }
0xed: {  	[sflag:s7] =	ssyncset.done $0x0  }
0xee: {  	[sflag:s7] =	ssyncadd.s32 $0xFFFF8000  }
0xef: {  	[hbm4b:s22+s2] =	stream.linear.scatter [tilespmem:s3], [sflag:$0x5], $0x8000, $0x38;
	[tilespmem:$0x18000] =	vst v63  }
0xf0: {  	_ =	swait.ge [sflag:s8], $0x8000  }
0xf1: {  	[sflag:s8] =	ssyncset.done $0x0  }
0xf2: {  	[sflag:s8] =	ssyncadd.s32 $0xFFFF8000  }
0xf3: {  	[tilespmem:s3], [sflag:$0x2] =	stream.linear.gather [hbm4b:s23+s2], $0x8000, $0x38;
	[tilespmem:$0x18000] =	vst v63  }
0xf4: {  	_ =	swait.ge [sflag:s9], $0x8000  }
0xf5: {  	[sflag:s9] =	ssyncset.done $0x0  }
0xf6: {  	[sflag:s9] =	ssyncadd.s32 $0xFFFF8000  }
0xf7: {  	[hbm4b:s24+s2] =	stream.linear.scatter [tilespmem:s4], [sflag:$0x6], $0x8000, $0x38;
	[tilespmem:$0x18000] =	vst v63  }
0xf8: {  	_ =	swait.ge [sflag:s10], $0x8000  }
0xf9: {  	[sflag:s10] =	ssyncset.done $0x0  }
0xfa: {  	[sflag:s10] =	ssyncadd.s32 $0xFFFF8000  }
0xfb: {  	[tilespmem:s4], [sflag:$0x3] =	stream.linear.gather [hbm4b:s25+s2], $0x8000, $0x38;
	[tilespmem:$0x18000] =	vst v63  }
0xfc: {  	_ =	swait.ge [sflag:s5], $0x8000  }
0xfd: {  	[sflag:s5] =	ssyncset.done $0x0  }
0xfe: {  	[sflag:s5] =	ssyncadd.s32 $0xFFFF8000  }
0xff: {  	[hbm4b:s26+s2] =	stream.linear.scatter [tilespmem:s2], [sflag:$0x4], $0x8000, $0x38;
	[tilespmem:$0x18000] =	vst v63  }
0x100: {  	_ =	swait.ge [sflag:s6], $0x8000  }
0x101: {  	[sflag:s6] =	ssyncset.done $0x0  }
0x102: {  	[sflag:s6] =	ssyncadd.s32 $0xFFFF8000  }
0x103: {  	[tilespmem:s2], [sflag:$0x1] =	stream.linear.gather [hbm4b:s28+s2], $0x8000, $0x38;
	[tilespmem:$0x18000] =	vst v63  }
0x104: {  	_ =	swait.ge [sflag:s7], $0x8000  }
0x105: {  	[sflag:s7] =	ssyncset.done $0x0  }
0x106: {  	[sflag:s7] =	ssyncadd.s32 $0xFFFF8000  }
0x107: {  	[hbm4b:s29+s2] =	stream.linear.scatter [tilespmem:s3], [sflag:$0x5], $0x8000, $0x38;
	[tilespmem:$0x18000] =	vst v63  }
0x108: {  	_ =	swait.ge [sflag:s9], $0x8000  }
0x109: {  	[sflag:s9] =	ssyncset.done $0x0  }
0x10a: {  	[sflag:s9] =	ssyncadd.s32 $0xFFFF8000  }
0x10b: {  	[hbm4b:s30+s2] =	stream.linear.scatter [tilespmem:s4], [sflag:$0x6], $0x8000, $0x38;
	[tilespmem:$0x18000] =	vst v63  }
0x10c: {  	_ =	swait.ge [sflag:s5], $0x8000  }
0x10d: {  	[sflag:s5] =	ssyncset.done $0x0  }
0x10e: {  	[sflag:s5] =	ssyncadd.s32 $0xFFFF8000  }
0x10f: {  	[hbm4b:s31+s2] =	stream.linear.scatter [tilespmem:s2], [sflag:$0x4], $0x8000, $0x38;
	[tilespmem:$0x18000] =	vst v63  }
0x110: {  	_ =	swait.ge [sflag:s8], $0x8000  }
0x111: {  	p0 =	sne.s32 s0, $0x1;
	[sflag:s8] =	ssyncset.done $0x0  }
.Ltmp1:
0x112: {  	[sflag:s8] =	ssyncadd.s32 $0xFFFF8000;
	(pc) =	sbr.rel @p0 .LBB2_2-.Ltmp1, $4  }
0x113: {  	_ =	swait.ge [sflag:s10], $0x8000  }
0x114: {  	[sflag:s10] =	ssyncset.done $0x0  }
0x115: {  	[sflag:s10] =	ssyncadd.s32 $0xFFFF8000  }
0x116: {  	s0 =	sadd.s32 $0xFFFFFFFF, s0;
	_ =	swait.ge [sflag:s6], $0x8000  }
.LBB2_3:
0x117: {  	[sflag:s6] =	ssyncset.done $0x0  }
0x118: {  	[sflag:s6] =	ssyncadd.s32 $0xFFFF8000  }
0x119: {  	_ =	sfence.sel $0x180000  }
0x11a: {  	[bflag:$0x0] =	sbarrier.arrive $0xFFFF  }
0x11b: {  	_ =	strace $0x90000047  }
0x11c: {  	s0 =	stileid.u32;
	[bflag:$0x2] =	sbarrier.arrive $0xFFFF  }
0x11d: {  	p0 =	sne.s32 s0, $0x0;
	s0 =	rddreg [dreg:$0x4]  }
0x11e: {  	s0 =	sadd.s32 @!p0 $0x100000, s0  }
0x11f: {  	[sflag:s0] =	ssyncadd.tile.s32 @!p0 $0x1;
	_ =	shalt  }
.Lfunc_end2:
_tile_overlayer_lowered:
.L_overlay_start_2:
0x120: {  	(tag) =	ssettag $0x2  }
0x121: {  	s0 =	rddreg [dreg:$0x0];
	s2 =	stileid.u32  }
0x122: {  	s1 =	rddreg [dreg:$0x1];
	p0 =	sne.s32 s2, $0x0  }
0x123: {  	s3 =	rddreg [dreg:$0x2];
	[bflag:$0x3] =	sbarrier.arrive $0xFFFF;
	s2 =	simm.s32 @!p0 $0x1C07  }
0x124: {  	[timem:s3], [sflag:s2] =	dma.local @!p0 [hbm:s0], s1  }
0x125: {  	s0 =	simm.s32 @!p0 $0x7  }
0x126: {  	_ =	swait.ge @!p0 [sflag:s0], s1  }
0x127: {  	s1 =	ssub.s32 @!p0 $0x0, s1;
	[sflag:s0] =	ssyncset.done @!p0 $0x0  }
0x128: {  	[sflag:s0] =	ssyncadd.s32 @!p0 s1  }
0x129: {  	[bflag:$0x3] =	sbarrier.arrive $0xFFFF  }
0x12a: {  	_ =	shalt  }

</sc_bundles>
